<compile_context>
chip_gen: v7x
topology: tpu7x:2x2x1
jax: 0.10.2.dev20260603
libtpu: 0.0.44.dev20260713+nightly
codegen_flags: <defaults>
</compile_context>

<pallas_src>
import functools

import numpy as np
import jax
import jax.numpy as jnp
from jax import lax
from jax.experimental import pallas as pl
from jax.experimental.pallas import tpu as pltpu
from jax.experimental.pallas import tpu_sc as plsc

D = 128
V = 100000
B = 1024
L = 200
SCALE = float(np.sqrt(np.float32(D)))

NC, NS = 2, 16
NW = NC * NS
FLAT = B * L
B_PER_W = FLAT // NW
CHUNK = L
NCH = B_PER_W // CHUNK
IDXW = 100
IPC = CHUNK // IDXW
NBUF = 3
VPR = D // 16


def _pos_encoding(length, d):
    pos = np.arange(length)[:, np.newaxis]
    i = np.arange(d)[np.newaxis, :]
    angle_rates = 1 / np.power(10000, 2 * (i // 2) / np.float32(d))
    angle_rads = pos * angle_rates
    sines = np.sin(angle_rads[:, 0::2])
    cosines = np.cos(angle_rads[:, 1::2])
    return np.concatenate([sines, cosines], axis=-1).astype(np.float32)


def _pe_packed_i32():
    import ml_dtypes
    pe = _pos_encoding(L, D)
    bf = pe.astype(ml_dtypes.bfloat16).view(np.uint16).astype(np.uint32)
    groups = bf.reshape(L, D // 32, 2, 16)
    packed = (groups[:, :, 1, :] << 16) | groups[:, :, 0, :]
    return packed.reshape(L, D // 2).view(np.int32)


_PE_PACKED_NP = _pe_packed_i32()

_MESH = plsc.VectorSubcoreMesh(core_axis_name="c", subcore_axis_name="s")


@functools.partial(
    pl.kernel,
    out_type=jax.ShapeDtypeStruct((FLAT, D), jnp.float32),
    mesh=_MESH,
    scratch_types=[
        pltpu.VMEM((B_PER_W // IDXW, IDXW), jnp.int32),
        pltpu.VMEM((L, D // 2), jnp.int32),
        [pltpu.VMEM((CHUNK, D), jnp.float32) for _ in range(NBUF)],
        [pltpu.SemaphoreType.DMA for _ in range(NBUF)],
        [pltpu.SemaphoreType.DMA for _ in range(NBUF)],
    ],
)
def _sc_embed(seq_hbm, table_hbm, pe_hbm, out_hbm, idx_v, pe_v, bufs, gsems, ssems):
    wid = lax.axis_index("s") * NC + lax.axis_index("c")
    base = wid * B_PER_W
    nrow = B_PER_W // IDXW
    pltpu.sync_copy(pe_hbm, pe_v)
    pltpu.sync_copy(seq_hbm.at[pl.ds(wid * nrow, nrow), :], idx_v)

    def gather(c, b):
        for p in range(IPC):
            pltpu.async_copy(
                table_hbm.at[idx_v.at[c * IPC + p]],
                bufs[b].at[pl.ds(p * IDXW, IDXW), :],
                gsems[b],
            )

    def gather_wait(b):
        for _ in range(IPC):
            pltpu.make_async_copy(
                table_hbm.at[idx_v.at[0]], bufs[b].at[pl.ds(0, IDXW), :], gsems[b]
            ).wait()

    def scatter(c, b):
        pltpu.async_copy(bufs[b], out_hbm.at[pl.ds(base + c * CHUNK, CHUNK)], ssems[b])

    def scatter_wait(b):
        pltpu.make_async_copy(bufs[b], out_hbm.at[pl.ds(base, CHUNK)], ssems[b]).wait()

    def compute(buf):
        @plsc.parallel_loop(0, CHUNK)
        def row_body(r):
            for p in range(VPR // 2):
                pew = pe_v[r, pl.ds(p * 16, 16)]
                lo = lax.bitcast_convert_type(pew << 16, jnp.float32)
                hi = lax.bitcast_convert_type(pew & jnp.int32(-65536), jnp.float32)
                sl0 = pl.ds(p * 32, 16)
                sl1 = pl.ds(p * 32 + 16, 16)
                buf[r, sl0] = buf[r, sl0] * SCALE + lo
                buf[r, sl1] = buf[r, sl1] * SCALE + hi

    def step(c, b, wait_sprev):
        if wait_sprev:
            scatter_wait((b + NBUF - 1) % NBUF)
        gather(c + 1, (b + 1) % NBUF)
        compute(bufs[b])
        scatter(c, b)
        gather_wait((b + 1) % NBUF)

    gather(0, 0)
    gather_wait(0)

    step(0, 0, False)

    def outer(t, carry):
        for j in range(NBUF):
            c = 1 + t * NBUF + j
            step(c, (1 + j) % NBUF, True)
        return carry

    lax.fori_loop(0, (NCH - 2) // NBUF, outer, 0, unroll=False)

    scatter_wait(0)
    compute(bufs[(NCH - 1) % NBUF])
    scatter(NCH - 1, (NCH - 1) % NBUF)
    scatter_wait((NCH - 1) % NBUF)


def kernel(sequence, table):
    seq2 = sequence.reshape(FLAT // IDXW, IDXW).astype(jnp.int32)
    pe = jnp.asarray(_PE_PACKED_NP)
    out = _sc_embed(seq2, table, pe)
    return out.reshape(B, L, D)

# --- scband reference (transcript-rebuilt; emitter-appended) ---
"""Pipeline reference for scband-pre-processing-layer-81801947119864 (READ-ONLY COPY).

The authoritative reference and input builder live on the scoring server;
editing this copy changes nothing except your own understanding.
"""

import jax, jax.numpy as jnp
import numpy as np

NEURONS = 128
VOCAB = 100000
BATCH = 1024
SEQ_LEN = 200


def _positional_encoding(position, d):
    pos = np.arange(position)[:, np.newaxis]
    i = np.arange(d)[np.newaxis, :]
    angle_rates = 1 / np.power(10000, 2 * (i // 2) / np.float32(d))
    angle_rads = pos * angle_rates
    sines = np.sin(angle_rads[:, 0::2])
    cosines = np.cos(angle_rads[:, 1::2])
    enc = np.concatenate([sines, cosines], axis=-1)
    return jnp.asarray(enc[np.newaxis, ...], dtype=jnp.float32)


PE = _positional_encoding(VOCAB, NEURONS)


def setup_inputs(seed: int = 0) -> dict:
    key = jax.random.key(seed)
    k1, k2 = jax.random.split(key)
    sequence = jax.random.randint(k1, (BATCH, SEQ_LEN), 0, VOCAB)
    # Keras Embedding default initializer: uniform(-0.05, 0.05)
    table = jax.random.uniform(k2, (VOCAB, NEURONS), dtype=jnp.float32, minval=-0.05, maxval=0.05)
    return {"sequence": sequence, "table": table}


def reference(sequence, table):
    seq_len = sequence.shape[1]
    x = jnp.take(table, sequence, axis=0)  # embedding lookup [B, L, D]
    x = x * jnp.sqrt(jnp.asarray(NEURONS, dtype=jnp.float32))
    x = x + PE[:, :seq_len, :]
    # Dropout is identity at inference time
    return x

if __name__ == "__main__":
    import jax
    _d = setup_inputs()
    print(jax.jit(kernel)(*tuple(_d.values())))

</pallas_src>

<mosaic_0001>
#map = affine_map<(d0, d1) -> (0, 0)>
module attributes {stable_mosaic.version = 14 : i64} {
  func.func @_sc_embed(%arg0: i32, %arg1: i32, %arg2: memref<2048x100xi32, #tpu.memory_space<hbm>>, %arg3: memref<100000x128xf32, #tpu.memory_space<hbm>>, %arg4: memref<200x64xi32, #tpu.memory_space<hbm>>, %arg5: memref<204800x128xf32, #tpu.memory_space<hbm>>, %arg6: memref<64x100xi32, #tpu.memory_space<vmem>>, %arg7: memref<200x64xi32, #tpu.memory_space<vmem>>, %arg8: memref<200x128xf32, #tpu.memory_space<vmem>>, %arg9: memref<200x128xf32, #tpu.memory_space<vmem>>, %arg10: memref<200x128xf32, #tpu.memory_space<vmem>>, %arg11: memref<!tpu.dma_semaphore, #tpu.memory_space<semaphore_mem>>, %arg12: memref<!tpu.dma_semaphore, #tpu.memory_space<semaphore_mem>>, %arg13: memref<!tpu.dma_semaphore, #tpu.memory_space<semaphore_mem>>, %arg14: memref<!tpu.dma_semaphore, #tpu.memory_space<semaphore_mem>>, %arg15: memref<!tpu.dma_semaphore, #tpu.memory_space<semaphore_mem>>, %arg16: memref<!tpu.dma_semaphore, #tpu.memory_space<semaphore_mem>>) attributes {dimension_semantics = [#tpu.dimension_semantics<core_parallel>, #tpu.dimension_semantics<subcore_parallel>], iteration_bounds = array<i64: 2, 16>, scalar_prefetch = 0 : i64, scratch_operands = 11 : i64, tpu.core_type = #tpu.core_type<sc_vector_subcore>, window_params = [{transform_indices = #map}, {transform_indices = #map}, {transform_indices = #map}, {transform_indices = #map}]} {
    %mul3A = arith.constant 2 : i32
    %mul3A_0 = arith.muli %arg1, %mul3A : i32
    %add3A = arith.addi %mul3A_0, %arg0 : i32
    %mul3A_1 = arith.constant 6400 : i32
    %mul3A_2 = arith.muli %add3A, %mul3A_1 : i32
    "tpu.region"() ({
      %run_scoped3A = tpu.sem_alloc : memref<!tpu.dma_semaphore, #tpu.memory_space<semaphore_mem>>
      tpu.enqueue_dma source(%arg4 : memref<200x64xi32, #tpu.memory_space<hbm>>) target(%arg7 : memref<200x64xi32, #tpu.memory_space<vmem>>) target_semaphore(%run_scoped3A : memref<!tpu.dma_semaphore, #tpu.memory_space<semaphore_mem>>)
      tpu.wait_dma2 semaphore(%run_scoped3A : memref<!tpu.dma_semaphore, #tpu.memory_space<semaphore_mem>>) src(%arg4 : memref<200x64xi32, #tpu.memory_space<hbm>>) dst(%arg7 : memref<200x64xi32, #tpu.memory_space<vmem>>)
      tpu.yield
    }) : () -> ()
    %mul3A_3 = arith.constant 64 : i32
    %mul3A_4 = arith.muli %add3A, %mul3A_3 : i32
    "tpu.region"() ({
      %run_scoped3A = tpu.sem_alloc : memref<!tpu.dma_semaphore, #tpu.memory_space<semaphore_mem>>
      %dma_start3A_113 = arith.constant 0 : i32
      %dma_start3A_114 = tpu.memref_slice %arg2[%mul3A_4, %dma_start3A_113] : memref<2048x100xi32, #tpu.memory_space<hbm>> -> memref<64x100xi32, #tpu.memory_space<hbm>>
      %dma_start3A_115 = arith.constant 0 : i32
      %dma_start3A_116 = tpu.memref_slice %arg2[%mul3A_4, %dma_start3A_115] : memref<2048x100xi32, #tpu.memory_space<hbm>> -> memref<64x100xi32, #tpu.memory_space<hbm>>
      tpu.enqueue_dma source(%dma_start3A_116 : memref<64x100xi32, #tpu.memory_space<hbm>>) target(%arg6 : memref<64x100xi32, #tpu.memory_space<vmem>>) target_semaphore(%run_scoped3A : memref<!tpu.dma_semaphore, #tpu.memory_space<semaphore_mem>>)
      %dma_wait3A_117 = arith.constant 0 : i32
      %dma_wait3A_118 = tpu.memref_slice %arg2[%mul3A_4, %dma_wait3A_117] : memref<2048x100xi32, #tpu.memory_space<hbm>> -> memref<64x100xi32, #tpu.memory_space<hbm>>
      %dma_wait3A_119 = arith.constant 0 : i32
      %dma_wait3A_120 = tpu.memref_slice %arg2[%mul3A_4, %dma_wait3A_119] : memref<2048x100xi32, #tpu.memory_space<hbm>> -> memref<64x100xi32, #tpu.memory_space<hbm>>
      tpu.wait_dma2 semaphore(%run_scoped3A : memref<!tpu.dma_semaphore, #tpu.memory_space<semaphore_mem>>) src(%dma_wait3A_120 : memref<64x100xi32, #tpu.memory_space<hbm>>) dst(%arg6 : memref<64x100xi32, #tpu.memory_space<vmem>>)
      tpu.yield
    }) : () -> ()
    %dma_start3A = arith.constant 0 : i32
    %dma_start3A_5 = arith.constant 0 : i32
    %dma_start3A_6 = arith.constant 0 : i32
    %dma_start3A_7 = tpu.memref_slice %arg8[%dma_start3A_5, %dma_start3A_6] : memref<200x128xf32, #tpu.memory_space<vmem>> -> memref<100x128xf32, #tpu.memory_space<vmem>>
    %dma_start3A_8 = arith.constant 0 : i32
    %dma_start3A_9 = tpu.memref_slice %arg6[%dma_start3A, %dma_start3A_8] : memref<64x100xi32, #tpu.memory_space<vmem>> -> memref<1x100xi32, #tpu.memory_space<vmem>>
    %dma_start3A_10 = tpu.memref_squeeze %dma_start3A_9 : memref<1x100xi32, #tpu.memory_space<vmem>> -> memref<100xi32, #tpu.memory_space<vmem>>
    %dma_start3A_11 = arith.constant 0 : i32
    %dma_start3A_12 = arith.constant 0 : i32
    %dma_start3A_13 = tpu.memref_slice %arg3[%dma_start3A_11, %dma_start3A_12] : memref<100000x128xf32, #tpu.memory_space<hbm>> -> memref<100000x128xf32, #tpu.memory_space<hbm>>
    tpu.enqueue_indirect_dma source(%dma_start3A_13 : memref<100000x128xf32, #tpu.memory_space<hbm>>) target(%dma_start3A_7 : memref<100x128xf32, #tpu.memory_space<vmem>>) offsets(%dma_start3A_10 : memref<100xi32, #tpu.memory_space<vmem>>) semaphore(%arg11 : memref<!tpu.dma_semaphore, #tpu.memory_space<semaphore_mem>>)
    %dma_start3A_14 = arith.constant 1 : i32
    %dma_start3A_15 = arith.constant 100 : i32
    %dma_start3A_16 = arith.constant 0 : i32
    %dma_start3A_17 = tpu.memref_slice %arg8[%dma_start3A_15, %dma_start3A_16] : memref<200x128xf32, #tpu.memory_space<vmem>> -> memref<100x128xf32, #tpu.memory_space<vmem>>
    %dma_start3A_18 = arith.constant 0 : i32
    %dma_start3A_19 = tpu.memref_slice %arg6[%dma_start3A_14, %dma_start3A_18] : memref<64x100xi32, #tpu.memory_space<vmem>> -> memref<1x100xi32, #tpu.memory_space<vmem>>
    %dma_start3A_20 = tpu.memref_squeeze %dma_start3A_19 : memref<1x100xi32, #tpu.memory_space<vmem>> -> memref<100xi32, #tpu.memory_space<vmem>>
    %dma_start3A_21 = arith.constant 0 : i32
    %dma_start3A_22 = arith.constant 0 : i32
    %dma_start3A_23 = tpu.memref_slice %arg3[%dma_start3A_21, %dma_start3A_22] : memref<100000x128xf32, #tpu.memory_space<hbm>> -> memref<100000x128xf32, #tpu.memory_space<hbm>>
    tpu.enqueue_indirect_dma source(%dma_start3A_23 : memref<100000x128xf32, #tpu.memory_space<hbm>>) target(%dma_start3A_17 : memref<100x128xf32, #tpu.memory_space<vmem>>) offsets(%dma_start3A_20 : memref<100xi32, #tpu.memory_space<vmem>>) semaphore(%arg11 : memref<!tpu.dma_semaphore, #tpu.memory_space<semaphore_mem>>)
    %dma_wait3A = arith.constant 0 : i32
    %dma_wait3A_24 = arith.constant 0 : i32
    %dma_wait3A_25 = arith.constant 0 : i32
    %dma_wait3A_26 = tpu.memref_slice %arg8[%dma_wait3A_24, %dma_wait3A_25] : memref<200x128xf32, #tpu.memory_space<vmem>> -> memref<100x128xf32, #tpu.memory_space<vmem>>
    %dma_wait3A_27 = arith.constant 0 : i32
    %dma_wait3A_28 = tpu.memref_slice %arg6[%dma_wait3A, %dma_wait3A_27] : memref<64x100xi32, #tpu.memory_space<vmem>> -> memref<1x100xi32, #tpu.memory_space<vmem>>
    %dma_wait3A_29 = tpu.memref_squeeze %dma_wait3A_28 : memref<1x100xi32, #tpu.memory_space<vmem>> -> memref<100xi32, #tpu.memory_space<vmem>>
    %dma_wait3A_30 = arith.constant 0 : i32
    %dma_wait3A_31 = arith.constant 0 : i32
    %dma_wait3A_32 = tpu.memref_slice %arg3[%dma_wait3A_30, %dma_wait3A_31] : memref<100000x128xf32, #tpu.memory_space<hbm>> -> memref<100000x128xf32, #tpu.memory_space<hbm>>
    tpu.wait_indirect_dma semaphore(%arg11 : memref<!tpu.dma_semaphore, #tpu.memory_space<semaphore_mem>>) src(%dma_wait3A_32 : memref<100000x128xf32, #tpu.memory_space<hbm>>) dst(%dma_wait3A_26 : memref<100x128xf32, #tpu.memory_space<vmem>>)
    %dma_wait3A_33 = arith.constant 0 : i32
    %dma_wait3A_34 = arith.constant 0 : i32
    %dma_wait3A_35 = arith.constant 0 : i32
    %dma_wait3A_36 = tpu.memref_slice %arg8[%dma_wait3A_34, %dma_wait3A_35] : memref<200x128xf32, #tpu.memory_space<vmem>> -> memref<100x128xf32, #tpu.memory_space<vmem>>
    %dma_wait3A_37 = arith.constant 0 : i32
    %dma_wait3A_38 = tpu.memref_slice %arg6[%dma_wait3A_33, %dma_wait3A_37] : memref<64x100xi32, #tpu.memory_space<vmem>> -> memref<1x100xi32, #tpu.memory_space<vmem>>
    %dma_wait3A_39 = tpu.memref_squeeze %dma_wait3A_38 : memref<1x100xi32, #tpu.memory_space<vmem>> -> memref<100xi32, #tpu.memory_space<vmem>>
    %dma_wait3A_40 = arith.constant 0 : i32
    %dma_wait3A_41 = arith.constant 0 : i32
    %dma_wait3A_42 = tpu.memref_slice %arg3[%dma_wait3A_40, %dma_wait3A_41] : memref<100000x128xf32, #tpu.memory_space<hbm>> -> memref<100000x128xf32, #tpu.memory_space<hbm>>
    tpu.wait_indirect_dma semaphore(%arg11 : memref<!tpu.dma_semaphore, #tpu.memory_space<semaphore_mem>>) src(%dma_wait3A_42 : memref<100000x128xf32, #tpu.memory_space<hbm>>) dst(%dma_wait3A_36 : memref<100x128xf32, #tpu.memory_space<vmem>>)
    %dma_start3A_43 = arith.constant 2 : i32
    %dma_start3A_44 = arith.constant 0 : i32
    %dma_start3A_45 = arith.constant 0 : i32
    %dma_start3A_46 = tpu.memref_slice %arg9[%dma_start3A_44, %dma_start3A_45] : memref<200x128xf32, #tpu.memory_space<vmem>> -> memref<100x128xf32, #tpu.memory_space<vmem>>
    %dma_start3A_47 = arith.constant 0 : i32
    %dma_start3A_48 = tpu.memref_slice %arg6[%dma_start3A_43, %dma_start3A_47] : memref<64x100xi32, #tpu.memory_space<vmem>> -> memref<1x100xi32, #tpu.memory_space<vmem>>
    %dma_start3A_49 = tpu.memref_squeeze %dma_start3A_48 : memref<1x100xi32, #tpu.memory_space<vmem>> -> memref<100xi32, #tpu.memory_space<vmem>>
    %dma_start3A_50 = arith.constant 0 : i32
    %dma_start3A_51 = arith.constant 0 : i32
    %dma_start3A_52 = tpu.memref_slice %arg3[%dma_start3A_50, %dma_start3A_51] : memref<100000x128xf32, #tpu.memory_space<hbm>> -> memref<100000x128xf32, #tpu.memory_space<hbm>>
    tpu.enqueue_indirect_dma source(%dma_start3A_52 : memref<100000x128xf32, #tpu.memory_space<hbm>>) target(%dma_start3A_46 : memref<100x128xf32, #tpu.memory_space<vmem>>) offsets(%dma_start3A_49 : memref<100xi32, #tpu.memory_space<vmem>>) semaphore(%arg12 : memref<!tpu.dma_semaphore, #tpu.memory_space<semaphore_mem>>)
    %dma_start3A_53 = arith.constant 3 : i32
    %dma_start3A_54 = arith.constant 100 : i32
    %dma_start3A_55 = arith.constant 0 : i32
    %dma_start3A_56 = tpu.memref_slice %arg9[%dma_start3A_54, %dma_start3A_55] : memref<200x128xf32, #tpu.memory_space<vmem>> -> memref<100x128xf32, #tpu.memory_space<vmem>>
    %dma_start3A_57 = arith.constant 0 : i32
    %dma_start3A_58 = tpu.memref_slice %arg6[%dma_start3A_53, %dma_start3A_57] : memref<64x100xi32, #tpu.memory_space<vmem>> -> memref<1x100xi32, #tpu.memory_space<vmem>>
    %dma_start3A_59 = tpu.memref_squeeze %dma_start3A_58 : memref<1x100xi32, #tpu.memory_space<vmem>> -> memref<100xi32, #tpu.memory_space<vmem>>
    %dma_start3A_60 = arith.constant 0 : i32
    %dma_start3A_61 = arith.constant 0 : i32
    %dma_start3A_62 = tpu.memref_slice %arg3[%dma_start3A_60, %dma_start3A_61] : memref<100000x128xf32, #tpu.memory_space<hbm>> -> memref<100000x128xf32, #tpu.memory_space<hbm>>
    tpu.enqueue_indirect_dma source(%dma_start3A_62 : memref<100000x128xf32, #tpu.memory_space<hbm>>) target(%dma_start3A_56 : memref<100x128xf32, #tpu.memory_space<vmem>>) offsets(%dma_start3A_59 : memref<100xi32, #tpu.memory_space<vmem>>) semaphore(%arg12 : memref<!tpu.dma_semaphore, #tpu.memory_space<semaphore_mem>>)
    %parallel_loop3A = arith.constant 0 : i32
    %parallel_loop3A_63 = arith.constant 200 : i32
    %parallel_loop3A_64 = arith.constant 1 : i32
    scf.for %parallel_loop3A_113 = %parallel_loop3A to %parallel_loop3A_63 step %parallel_loop3A_64  : i32 {
      %parallel_loop3A_114 = arith.index_cast %parallel_loop3A_113 : i32 to index
      %parallel_loop3A_115 = arith.constant 0 : index
      %parallel_loop3A_116 = tpu.vector_load %arg7[%parallel_loop3A_114, %parallel_loop3A_115] {strides = array<i32>} : memref<200x64xi32, #tpu.memory_space<vmem>>, vector<1x16xi32>,
      %parallel_loop3A_117 = vector.shape_cast %parallel_loop3A_116 : vector<1x16xi32> to vector<16xi32>
      %parallel_loop3A_118 = arith.constant 16 : i32
      %parallel_loop3A_119 = vector.broadcast %parallel_loop3A_118 : i32 to vector<16xi32>
      %parallel_loop3A_120 = arith.shli %parallel_loop3A_117, %parallel_loop3A_119 : vector<16xi32>
      %parallel_loop3A_121 = tpu.bitcast %parallel_loop3A_120 : vector<16xi32> -> vector<16xf32>
      %parallel_loop3A_122 = arith.constant -65536 : i32
      %parallel_loop3A_123 = vector.broadcast %parallel_loop3A_122 : i32 to vector<16xi32>
      %parallel_loop3A_124 = arith.andi %parallel_loop3A_117, %parallel_loop3A_123 : vector<16xi32>
      %parallel_loop3A_125 = tpu.bitcast %parallel_loop3A_124 : vector<16xi32> -> vector<16xf32>
      %parallel_loop3A_126 = arith.index_cast %parallel_loop3A_113 : i32 to index
      %parallel_loop3A_127 = arith.constant 0 : index
      %parallel_loop3A_128 = tpu.vector_load %arg8[%parallel_loop3A_126, %parallel_loop3A_127] {strides = array<i32>} : memref<200x128xf32, #tpu.memory_space<vmem>>, vector<1x16xf32>,
      %parallel_loop3A_129 = vector.shape_cast %parallel_loop3A_128 : vector<1x16xf32> to vector<16xf32>
      %parallel_loop3A_130 = arith.constant 11.3137083 : f32
      %parallel_loop3A_131 = vector.broadcast %parallel_loop3A_130 : f32 to vector<16xf32>
      %parallel_loop3A_132 = arith.mulf %parallel_loop3A_129, %parallel_loop3A_131 : vector<16xf32>
      %parallel_loop3A_133 = arith.addf %parallel_loop3A_132, %parallel_loop3A_121 : vector<16xf32>
      %parallel_loop3A_134 = arith.index_cast %parallel_loop3A_113 : i32 to index
      %parallel_loop3A_135 = arith.constant 0 : index
      %parallel_loop3A_136 = tpu.vector_load %arg8[%parallel_loop3A_134, %parallel_loop3A_135] {strides = array<i32>} : memref<200x128xf32, #tpu.memory_space<vmem>>, vector<1x16xf32>,
      %parallel_loop3A_137 = vector.shape_cast %parallel_loop3A_136 : vector<1x16xf32> to vector<16xf32>
      %parallel_loop3A_138 = vector.shape_cast %parallel_loop3A_133 : vector<16xf32> to vector<1x16xf32>
      tpu.vector_store %arg8[%parallel_loop3A_134, %parallel_loop3A_135], %parallel_loop3A_138 {strides = array<i32>} : memref<200x128xf32, #tpu.memory_space<vmem>>, vector<1x16xf32>,
      %parallel_loop3A_139 = arith.index_cast %parallel_loop3A_113 : i32 to index
      %parallel_loop3A_140 = arith.constant 16 : index
      %parallel_loop3A_141 = tpu.vector_load %arg8[%parallel_loop3A_139, %parallel_loop3A_140] {strides = array<i32>} : memref<200x128xf32, #tpu.memory_space<vmem>>, vector<1x16xf32>,
      %parallel_loop3A_142 = vector.shape_cast %parallel_loop3A_141 : vector<1x16xf32> to vector<16xf32>
      %parallel_loop3A_143 = arith.constant 11.3137083 : f32
      %parallel_loop3A_144 = vector.broadcast %parallel_loop3A_143 : f32 to vector<16xf32>
      %parallel_loop3A_145 = arith.mulf %parallel_loop3A_142, %parallel_loop3A_144 : vector<16xf32>
      %parallel_loop3A_146 = arith.addf %parallel_loop3A_145, %parallel_loop3A_125 : vector<16xf32>
      %parallel_loop3A_147 = arith.index_cast %parallel_loop3A_113 : i32 to index
      %parallel_loop3A_148 = arith.constant 16 : index
      %parallel_loop3A_149 = tpu.vector_load %arg8[%parallel_loop3A_147, %parallel_loop3A_148] {strides = array<i32>} : memref<200x128xf32, #tpu.memory_space<vmem>>, vector<1x16xf32>,
      %parallel_loop3A_150 = vector.shape_cast %parallel_loop3A_149 : vector<1x16xf32> to vector<16xf32>
      %parallel_loop3A_151 = vector.shape_cast %parallel_loop3A_146 : vector<16xf32> to vector<1x16xf32>
      tpu.vector_store %arg8[%parallel_loop3A_147, %parallel_loop3A_148], %parallel_loop3A_151 {strides = array<i32>} : memref<200x128xf32, #tpu.memory_space<vmem>>, vector<1x16xf32>,
      %parallel_loop3A_152 = arith.index_cast %parallel_loop3A_113 : i32 to index
      %parallel_loop3A_153 = arith.constant 16 : index
      %parallel_loop3A_154 = tpu.vector_load %arg7[%parallel_loop3A_152, %parallel_loop3A_153] {strides = array<i32>} : memref<200x64xi32, #tpu.memory_space<vmem>>, vector<1x16xi32>,
      %parallel_loop3A_155 = vector.shape_cast %parallel_loop3A_154 : vector<1x16xi32> to vector<16xi32>
      %parallel_loop3A_156 = arith.constant 16 : i32
      %parallel_loop3A_157 = vector.broadcast %parallel_loop3A_156 : i32 to vector<16xi32>
      %parallel_loop3A_158 = arith.shli %parallel_loop3A_155, %parallel_loop3A_157 : vector<16xi32>
      %parallel_loop3A_159 = tpu.bitcast %parallel_loop3A_158 : vector<16xi32> -> vector<16xf32>
      %parallel_loop3A_160 = arith.constant -65536 : i32
      %parallel_loop3A_161 = vector.broadcast %parallel_loop3A_160 : i32 to vector<16xi32>
      %parallel_loop3A_162 = arith.andi %parallel_loop3A_155, %parallel_loop3A_161 : vector<16xi32>
      %parallel_loop3A_163 = tpu.bitcast %parallel_loop3A_162 : vector<16xi32> -> vector<16xf32>
      %parallel_loop3A_164 = arith.index_cast %parallel_loop3A_113 : i32 to index
      %parallel_loop3A_165 = arith.constant 32 : index
      %parallel_loop3A_166 = tpu.vector_load %arg8[%parallel_loop3A_164, %parallel_loop3A_165] {strides = array<i32>} : memref<200x128xf32, #tpu.memory_space<vmem>>, vector<1x16xf32>,
      %parallel_loop3A_167 = vector.shape_cast %parallel_loop3A_166 : vector<1x16xf32> to vector<16xf32>
      %parallel_loop3A_168 = arith.constant 11.3137083 : f32
      %parallel_loop3A_169 = vector.broadcast %parallel_loop3A_168 : f32 to vector<16xf32>
      %parallel_loop3A_170 = arith.mulf %parallel_loop3A_167, %parallel_loop3A_169 : vector<16xf32>
      %parallel_loop3A_171 = arith.addf %parallel_loop3A_170, %parallel_loop3A_159 : vector<16xf32>
      %parallel_loop3A_172 = arith.index_cast %parallel_loop3A_113 : i32 to index
      %parallel_loop3A_173 = arith.constant 32 : index
      %parallel_loop3A_174 = tpu.vector_load %arg8[%parallel_loop3A_172, %parallel_loop3A_173] {strides = array<i32>} : memref<200x128xf32, #tpu.memory_space<vmem>>, vector<1x16xf32>,
      %parallel_loop3A_175 = vector.shape_cast %parallel_loop3A_174 : vector<1x16xf32> to vector<16xf32>
      %parallel_loop3A_176 = vector.shape_cast %parallel_loop3A_171 : vector<16xf32> to vector<1x16xf32>
      tpu.vector_store %arg8[%parallel_loop3A_172, %parallel_loop3A_173], %parallel_loop3A_176 {strides = array<i32>} : memref<200x128xf32, #tpu.memory_space<vmem>>, vector<1x16xf32>,
      %parallel_loop3A_177 = arith.index_cast %parallel_loop3A_113 : i32 to index
      %parallel_loop3A_178 = arith.constant 48 : index
      %parallel_loop3A_179 = tpu.vector_load %arg8[%parallel_loop3A_177, %parallel_loop3A_178] {strides = array<i32>} : memref<200x128xf32, #tpu.memory_space<vmem>>, vector<1x16xf32>,
      %parallel_loop3A_180 = vector.shape_cast %parallel_loop3A_179 : vector<1x16xf32> to vector<16xf32>
      %parallel_loop3A_181 = arith.constant 11.3137083 : f32
      %parallel_loop3A_182 = vector.broadcast %parallel_loop3A_181 : f32 to vector<16xf32>
      %parallel_loop3A_183 = arith.mulf %parallel_loop3A_180, %parallel_loop3A_182 : vector<16xf32>
      %parallel_loop3A_184 = arith.addf %parallel_loop3A_183, %parallel_loop3A_163 : vector<16xf32>
      %parallel_loop3A_185 = arith.index_cast %parallel_loop3A_113 : i32 to index
      %parallel_loop3A_186 = arith.constant 48 : index
      %parallel_loop3A_187 = tpu.vector_load %arg8[%parallel_loop3A_185, %parallel_loop3A_186] {strides = array<i32>} : memref<200x128xf32, #tpu.memory_space<vmem>>, vector<1x16xf32>,
      %parallel_loop3A_188 = vector.shape_cast %parallel_loop3A_187 : vector<1x16xf32> to vector<16xf32>
      %parallel_loop3A_189 = vector.shape_cast %parallel_loop3A_184 : vector<16xf32> to vector<1x16xf32>
      tpu.vector_store %arg8[%parallel_loop3A_185, %parallel_loop3A_186], %parallel_loop3A_189 {strides = array<i32>} : memref<200x128xf32, #tpu.memory_space<vmem>>, vector<1x16xf32>,
      %parallel_loop3A_190 = arith.index_cast %parallel_loop3A_113 : i32 to index
      %parallel_loop3A_191 = arith.constant 32 : index
      %parallel_loop3A_192 = tpu.vector_load %arg7[%parallel_loop3A_190, %parallel_loop3A_191] {strides = array<i32>} : memref<200x64xi32, #tpu.memory_space<vmem>>, vector<1x16xi32>,
      %parallel_loop3A_193 = vector.shape_cast %parallel_loop3A_192 : vector<1x16xi32> to vector<16xi32>
      %parallel_loop3A_194 = arith.constant 16 : i32
      %parallel_loop3A_195 = vector.broadcast %parallel_loop3A_194 : i32 to vector<16xi32>
      %parallel_loop3A_196 = arith.shli %parallel_loop3A_193, %parallel_loop3A_195 : vector<16xi32>
      %parallel_loop3A_197 = tpu.bitcast %parallel_loop3A_196 : vector<16xi32> -> vector<16xf32>
      %parallel_loop3A_198 = arith.constant -65536 : i32
      %parallel_loop3A_199 = vector.broadcast %parallel_loop3A_198 : i32 to vector<16xi32>
      %parallel_loop3A_200 = arith.andi %parallel_loop3A_193, %parallel_loop3A_199 : vector<16xi32>
      %parallel_loop3A_201 = tpu.bitcast %parallel_loop3A_200 : vector<16xi32> -> vector<16xf32>
      %parallel_loop3A_202 = arith.index_cast %parallel_loop3A_113 : i32 to index
      %parallel_loop3A_203 = arith.constant 64 : index
      %parallel_loop3A_204 = tpu.vector_load %arg8[%parallel_loop3A_202, %parallel_loop3A_203] {strides = array<i32>} : memref<200x128xf32, #tpu.memory_space<vmem>>, vector<1x16xf32>,
      %parallel_loop3A_205 = vector.shape_cast %parallel_loop3A_204 : vector<1x16xf32> to vector<16xf32>
      %parallel_loop3A_206 = arith.constant 11.3137083 : f32
      %parallel_loop3A_207 = vector.broadcast %parallel_loop3A_206 : f32 to vector<16xf32>
      %parallel_loop3A_208 = arith.mulf %parallel_loop3A_205, %parallel_loop3A_207 : vector<16xf32>
      %parallel_loop3A_209 = arith.addf %parallel_loop3A_208, %parallel_loop3A_197 : vector<16xf32>
      %parallel_loop3A_210 = arith.index_cast %parallel_loop3A_113 : i32 to index
      %parallel_loop3A_211 = arith.constant 64 : index
      %parallel_loop3A_212 = tpu.vector_load %arg8[%parallel_loop3A_210, %parallel_loop3A_211] {strides = array<i32>} : memref<200x128xf32, #tpu.memory_space<vmem>>, vector<1x16xf32>,
      %parallel_loop3A_213 = vector.shape_cast %parallel_loop3A_212 : vector<1x16xf32> to vector<16xf32>
      %parallel_loop3A_214 = vector.shape_cast %parallel_loop3A_209 : vector<16xf32> to vector<1x16xf32>
      tpu.vector_store %arg8[%parallel_loop3A_210, %parallel_loop3A_211], %parallel_loop3A_214 {strides = array<i32>} : memref<200x128xf32, #tpu.memory_space<vmem>>, vector<1x16xf32>,
      %parallel_loop3A_215 = arith.index_cast %parallel_loop3A_113 : i32 to index
      %parallel_loop3A_216 = arith.constant 80 : index
      %parallel_loop3A_217 = tpu.vector_load %arg8[%parallel_loop3A_215, %parallel_loop3A_216] {strides = array<i32>} : memref<200x128xf32, #tpu.memory_space<vmem>>, vector<1x16xf32>,
      %parallel_loop3A_218 = vector.shape_cast %parallel_loop3A_217 : vector<1x16xf32> to vector<16xf32>
      %parallel_loop3A_219 = arith.constant 11.3137083 : f32
      %parallel_loop3A_220 = vector.broadcast %parallel_loop3A_219 : f32 to vector<16xf32>
      %parallel_loop3A_221 = arith.mulf %parallel_loop3A_218, %parallel_loop3A_220 : vector<16xf32>
      %parallel_loop3A_222 = arith.addf %parallel_loop3A_221, %parallel_loop3A_201 : vector<16xf32>
      %parallel_loop3A_223 = arith.index_cast %parallel_loop3A_113 : i32 to index
      %parallel_loop3A_224 = arith.constant 80 : index
      %parallel_loop3A_225 = tpu.vector_load %arg8[%parallel_loop3A_223, %parallel_loop3A_224] {strides = array<i32>} : memref<200x128xf32, #tpu.memory_space<vmem>>, vector<1x16xf32>,
      %parallel_loop3A_226 = vector.shape_cast %parallel_loop3A_225 : vector<1x16xf32> to vector<16xf32>
      %parallel_loop3A_227 = vector.shape_cast %parallel_loop3A_222 : vector<16xf32> to vector<1x16xf32>
      tpu.vector_store %arg8[%parallel_loop3A_223, %parallel_loop3A_224], %parallel_loop3A_227 {strides = array<i32>} : memref<200x128xf32, #tpu.memory_space<vmem>>, vector<1x16xf32>,
      %parallel_loop3A_228 = arith.index_cast %parallel_loop3A_113 : i32 to index
      %parallel_loop3A_229 = arith.constant 48 : index
      %parallel_loop3A_230 = tpu.vector_load %arg7[%parallel_loop3A_228, %parallel_loop3A_229] {strides = array<i32>} : memref<200x64xi32, #tpu.memory_space<vmem>>, vector<1x16xi32>,
      %parallel_loop3A_231 = vector.shape_cast %parallel_loop3A_230 : vector<1x16xi32> to vector<16xi32>
      %parallel_loop3A_232 = arith.constant 16 : i32
      %parallel_loop3A_233 = vector.broadcast %parallel_loop3A_232 : i32 to vector<16xi32>
      %parallel_loop3A_234 = arith.shli %parallel_loop3A_231, %parallel_loop3A_233 : vector<16xi32>
      %parallel_loop3A_235 = tpu.bitcast %parallel_loop3A_234 : vector<16xi32> -> vector<16xf32>
      %parallel_loop3A_236 = arith.constant -65536 : i32
      %parallel_loop3A_237 = vector.broadcast %parallel_loop3A_236 : i32 to vector<16xi32>
      %parallel_loop3A_238 = arith.andi %parallel_loop3A_231, %parallel_loop3A_237 : vector<16xi32>
      %parallel_loop3A_239 = tpu.bitcast %parallel_loop3A_238 : vector<16xi32> -> vector<16xf32>
      %parallel_loop3A_240 = arith.index_cast %parallel_loop3A_113 : i32 to index
      %parallel_loop3A_241 = arith.constant 96 : index
      %parallel_loop3A_242 = tpu.vector_load %arg8[%parallel_loop3A_240, %parallel_loop3A_241] {strides = array<i32>} : memref<200x128xf32, #tpu.memory_space<vmem>>, vector<1x16xf32>,
      %parallel_loop3A_243 = vector.shape_cast %parallel_loop3A_242 : vector<1x16xf32> to vector<16xf32>
      %parallel_loop3A_244 = arith.constant 11.3137083 : f32
      %parallel_loop3A_245 = vector.broadcast %parallel_loop3A_244 : f32 to vector<16xf32>
      %parallel_loop3A_246 = arith.mulf %parallel_loop3A_243, %parallel_loop3A_245 : vector<16xf32>
      %parallel_loop3A_247 = arith.addf %parallel_loop3A_246, %parallel_loop3A_235 : vector<16xf32>
      %parallel_loop3A_248 = arith.index_cast %parallel_loop3A_113 : i32 to index
      %parallel_loop3A_249 = arith.constant 96 : index
      %parallel_loop3A_250 = tpu.vector_load %arg8[%parallel_loop3A_248, %parallel_loop3A_249] {strides = array<i32>} : memref<200x128xf32, #tpu.memory_space<vmem>>, vector<1x16xf32>,
      %parallel_loop3A_251 = vector.shape_cast %parallel_loop3A_250 : vector<1x16xf32> to vector<16xf32>
      %parallel_loop3A_252 = vector.shape_cast %parallel_loop3A_247 : vector<16xf32> to vector<1x16xf32>
      tpu.vector_store %arg8[%parallel_loop3A_248, %parallel_loop3A_249], %parallel_loop3A_252 {strides = array<i32>} : memref<200x128xf32, #tpu.memory_space<vmem>>, vector<1x16xf32>,
      %parallel_loop3A_253 = arith.index_cast %parallel_loop3A_113 : i32 to index
      %parallel_loop3A_254 = arith.constant 112 : index
      %parallel_loop3A_255 = tpu.vector_load %arg8[%parallel_loop3A_253, %parallel_loop3A_254] {strides = array<i32>} : memref<200x128xf32, #tpu.memory_space<vmem>>, vector<1x16xf32>,
      %parallel_loop3A_256 = vector.shape_cast %parallel_loop3A_255 : vector<1x16xf32> to vector<16xf32>
      %parallel_loop3A_257 = arith.constant 11.3137083 : f32
      %parallel_loop3A_258 = vector.broadcast %parallel_loop3A_257 : f32 to vector<16xf32>
      %parallel_loop3A_259 = arith.mulf %parallel_loop3A_256, %parallel_loop3A_258 : vector<16xf32>
      %parallel_loop3A_260 = arith.addf %parallel_loop3A_259, %parallel_loop3A_239 : vector<16xf32>
      %parallel_loop3A_261 = arith.index_cast %parallel_loop3A_113 : i32 to index
      %parallel_loop3A_262 = arith.constant 112 : index
      %parallel_loop3A_263 = tpu.vector_load %arg8[%parallel_loop3A_261, %parallel_loop3A_262] {strides = array<i32>} : memref<200x128xf32, #tpu.memory_space<vmem>>, vector<1x16xf32>,
      %parallel_loop3A_264 = vector.shape_cast %parallel_loop3A_263 : vector<1x16xf32> to vector<16xf32>
      %parallel_loop3A_265 = vector.shape_cast %parallel_loop3A_260 : vector<16xf32> to vector<1x16xf32>
      tpu.vector_store %arg8[%parallel_loop3A_261, %parallel_loop3A_262], %parallel_loop3A_265 {strides = array<i32>} : memref<200x128xf32, #tpu.memory_space<vmem>>, vector<1x16xf32>,
    } {sc.loop_unroll_factor = 1 : i64, sc.parallel_access}
    %add3A_65 = arith.constant 0 : i32
    %add3A_66 = arith.addi %mul3A_2, %add3A_65 : i32
    %dma_start3A_67 = arith.constant 0 : i32
    %dma_start3A_68 = tpu.memref_slice %arg5[%add3A_66, %dma_start3A_67] : memref<204800x128xf32, #tpu.memory_space<hbm>> -> memref<200x128xf32, #tpu.memory_space<hbm>>
    %dma_start3A_69 = arith.constant 0 : i32
    %dma_start3A_70 = tpu.memref_slice %arg5[%add3A_66, %dma_start3A_69] : memref<204800x128xf32, #tpu.memory_space<hbm>> -> memref<200x128xf32, #tpu.memory_space<hbm>>
    tpu.enqueue_dma source(%arg8 : memref<200x128xf32, #tpu.memory_space<vmem>>) target(%dma_start3A_70 : memref<200x128xf32, #tpu.memory_space<hbm>>) target_semaphore(%arg14 : memref<!tpu.dma_semaphore, #tpu.memory_space<semaphore_mem>>)
    %dma_wait3A_71 = arith.constant 0 : i32
    %dma_wait3A_72 = arith.constant 0 : i32
    %dma_wait3A_73 = arith.constant 0 : i32
    %dma_wait3A_74 = tpu.memref_slice %arg9[%dma_wait3A_72, %dma_wait3A_73] : memref<200x128xf32, #tpu.memory_space<vmem>> -> memref<100x128xf32, #tpu.memory_space<vmem>>
    %dma_wait3A_75 = arith.constant 0 : i32
    %dma_wait3A_76 = tpu.memref_slice %arg6[%dma_wait3A_71, %dma_wait3A_75] : memref<64x100xi32, #tpu.memory_space<vmem>> -> memref<1x100xi32, #tpu.memory_space<vmem>>
    %dma_wait3A_77 = tpu.memref_squeeze %dma_wait3A_76 : memref<1x100xi32, #tpu.memory_space<vmem>> -> memref<100xi32, #tpu.memory_space<vmem>>
    %dma_wait3A_78 = arith.constant 0 : i32
    %dma_wait3A_79 = arith.constant 0 : i32
    %dma_wait3A_80 = tpu.memref_slice %arg3[%dma_wait3A_78, %dma_wait3A_79] : memref<100000x128xf32, #tpu.memory_space<hbm>> -> memref<100000x128xf32, #tpu.memory_space<hbm>>
    tpu.wait_indirect_dma semaphore(%arg12 : memref<!tpu.dma_semaphore, #tpu.memory_space<semaphore_mem>>) src(%dma_wait3A_80 : memref<100000x128xf32, #tpu.memory_space<hbm>>) dst(%dma_wait3A_74 : memref<100x128xf32, #tpu.memory_space<vmem>>)
    %dma_wait3A_81 = arith.constant 0 : i32
    %dma_wait3A_82 = arith.constant 0 : i32
    %dma_wait3A_83 = arith.constant 0 : i32
    %dma_wait3A_84 = tpu.memref_slice %arg9[%dma_wait3A_82, %dma_wait3A_83] : memref<200x128xf32, #tpu.memory_space<vmem>> -> memref<100x128xf32, #tpu.memory_space<vmem>>
    %dma_wait3A_85 = arith.constant 0 : i32
    %dma_wait3A_86 = tpu.memref_slice %arg6[%dma_wait3A_81, %dma_wait3A_85] : memref<64x100xi32, #tpu.memory_space<vmem>> -> memref<1x100xi32, #tpu.memory_space<vmem>>
    %dma_wait3A_87 = tpu.memref_squeeze %dma_wait3A_86 : memref<1x100xi32, #tpu.memory_space<vmem>> -> memref<100xi32, #tpu.memory_space<vmem>>
    %dma_wait3A_88 = arith.constant 0 : i32
    %dma_wait3A_89 = arith.constant 0 : i32
    %dma_wait3A_90 = tpu.memref_slice %arg3[%dma_wait3A_88, %dma_wait3A_89] : memref<100000x128xf32, #tpu.memory_space<hbm>> -> memref<100000x128xf32, #tpu.memory_space<hbm>>
    tpu.wait_indirect_dma semaphore(%arg12 : memref<!tpu.dma_semaphore, #tpu.memory_space<semaphore_mem>>) src(%dma_wait3A_90 : memref<100000x128xf32, #tpu.memory_space<hbm>>) dst(%dma_wait3A_84 : memref<100x128xf32, #tpu.memory_space<vmem>>)
    %scan3A = arith.constant 0 : i32
    %scan3A_91 = arith.constant 0 : i32
    %scan3A_92 = arith.constant 10 : i32
    %scan3A_93 = arith.addi %scan3A_91, %scan3A_92 : i32
    %scan3A_94 = arith.constant 1 : i32
    scf.for %scan3A_113 = %scan3A_91 to %scan3A_93 step %scan3A_94  : i32 {
      %mul3A_114 = arith.constant 3 : i32
      %mul3A_115 = arith.muli %scan3A_113, %mul3A_114 : i32
      %add3A_116 = arith.constant 1 : i32
      %add3A_117 = arith.addi %add3A_116, %mul3A_115 : i32
      %add3A_118 = arith.constant 0 : i32
      %add3A_119 = arith.addi %add3A_117, %add3A_118 : i32
      %dma_wait3A_120 = arith.constant 0 : i32
      %dma_wait3A_121 = tpu.memref_slice %arg5[%mul3A_2, %dma_wait3A_120] : memref<204800x128xf32, #tpu.memory_space<hbm>> -> memref<200x128xf32, #tpu.memory_space<hbm>>
      %dma_wait3A_122 = arith.constant 0 : i32
      %dma_wait3A_123 = tpu.memref_slice %arg5[%mul3A_2, %dma_wait3A_122] : memref<204800x128xf32, #tpu.memory_space<hbm>> -> memref<200x128xf32, #tpu.memory_space<hbm>>
      tpu.wait_dma2 semaphore(%arg14 : memref<!tpu.dma_semaphore, #tpu.memory_space<semaphore_mem>>) src(%arg8 : memref<200x128xf32, #tpu.memory_space<vmem>>) dst(%dma_wait3A_123 : memref<200x128xf32, #tpu.memory_space<hbm>>)
      %add3A_124 = arith.constant 1 : i32
      %add3A_125 = arith.addi %add3A_119, %add3A_124 : i32
      %mul3A_126 = arith.constant 2 : i32
      %mul3A_127 = arith.muli %add3A_125, %mul3A_126 : i32
      %add3A_128 = arith.constant 0 : i32
      %add3A_129 = arith.addi %mul3A_127, %add3A_128 : i32
      %dma_start3A_130 = arith.constant 0 : i32
      %dma_start3A_131 = arith.constant 0 : i32
      %dma_start3A_132 = tpu.memref_slice %arg10[%dma_start3A_130, %dma_start3A_131] : memref<200x128xf32, #tpu.memory_space<vmem>> -> memref<100x128xf32, #tpu.memory_space<vmem>>
      %dma_start3A_133 = arith.constant 0 : i32
      %dma_start3A_134 = tpu.memref_slice %arg6[%add3A_129, %dma_start3A_133] : memref<64x100xi32, #tpu.memory_space<vmem>> -> memref<1x100xi32, #tpu.memory_space<vmem>>
      %dma_start3A_135 = tpu.memref_squeeze %dma_start3A_134 : memref<1x100xi32, #tpu.memory_space<vmem>> -> memref<100xi32, #tpu.memory_space<vmem>>
      %dma_start3A_136 = arith.constant 0 : i32
      %dma_start3A_137 = arith.constant 0 : i32
      %dma_start3A_138 = tpu.memref_slice %arg3[%dma_start3A_136, %dma_start3A_137] : memref<100000x128xf32, #tpu.memory_space<hbm>> -> memref<100000x128xf32, #tpu.memory_space<hbm>>
      tpu.enqueue_indirect_dma source(%dma_start3A_138 : memref<100000x128xf32, #tpu.memory_space<hbm>>) target(%dma_start3A_132 : memref<100x128xf32, #tpu.memory_space<vmem>>) offsets(%dma_start3A_135 : memref<100xi32, #tpu.memory_space<vmem>>) semaphore(%arg13 : memref<!tpu.dma_semaphore, #tpu.memory_space<semaphore_mem>>)
      %mul3A_139 = arith.constant 2 : i32
      %mul3A_140 = arith.muli %add3A_125, %mul3A_139 : i32
      %add3A_141 = arith.constant 1 : i32
      %add3A_142 = arith.addi %mul3A_140, %add3A_141 : i32
      %dma_start3A_143 = arith.constant 100 : i32
      %dma_start3A_144 = arith.constant 0 : i32
      %dma_start3A_145 = tpu.memref_slice %arg10[%dma_start3A_143, %dma_start3A_144] : memref<200x128xf32, #tpu.memory_space<vmem>> -> memref<100x128xf32, #tpu.memory_space<vmem>>
      %dma_start3A_146 = arith.constant 0 : i32
      %dma_start3A_147 = tpu.memref_slice %arg6[%add3A_142, %dma_start3A_146] : memref<64x100xi32, #tpu.memory_space<vmem>> -> memref<1x100xi32, #tpu.memory_space<vmem>>
      %dma_start3A_148 = tpu.memref_squeeze %dma_start3A_147 : memref<1x100xi32, #tpu.memory_space<vmem>> -> memref<100xi32, #tpu.memory_space<vmem>>
      %dma_start3A_149 = arith.constant 0 : i32
      %dma_start3A_150 = arith.constant 0 : i32
      %dma_start3A_151 = tpu.memref_slice %arg3[%dma_start3A_149, %dma_start3A_150] : memref<100000x128xf32, #tpu.memory_space<hbm>> -> memref<100000x128xf32, #tpu.memory_space<hbm>>
      tpu.enqueue_indirect_dma source(%dma_start3A_151 : memref<100000x128xf32, #tpu.memory_space<hbm>>) target(%dma_start3A_145 : memref<100x128xf32, #tpu.memory_space<vmem>>) offsets(%dma_start3A_148 : memref<100xi32, #tpu.memory_space<vmem>>) semaphore(%arg13 : memref<!tpu.dma_semaphore, #tpu.memory_space<semaphore_mem>>)
      %parallel_loop3A_152 = arith.constant 0 : i32
      %parallel_loop3A_153 = arith.constant 200 : i32
      %parallel_loop3A_154 = arith.constant 1 : i32
      scf.for %parallel_loop3A_318 = %parallel_loop3A_152 to %parallel_loop3A_153 step %parallel_loop3A_154  : i32 {
        %parallel_loop3A_319 = arith.index_cast %parallel_loop3A_318 : i32 to index
        %parallel_loop3A_320 = arith.constant 0 : index
        %parallel_loop3A_321 = tpu.vector_load %arg7[%parallel_loop3A_319, %parallel_loop3A_320] {strides = array<i32>} : memref<200x64xi32, #tpu.memory_space<vmem>>, vector<1x16xi32>,
        %parallel_loop3A_322 = vector.shape_cast %parallel_loop3A_321 : vector<1x16xi32> to vector<16xi32>
        %parallel_loop3A_323 = arith.constant 16 : i32
        %parallel_loop3A_324 = vector.broadcast %parallel_loop3A_323 : i32 to vector<16xi32>
        %parallel_loop3A_325 = arith.shli %parallel_loop3A_322, %parallel_loop3A_324 : vector<16xi32>
        %parallel_loop3A_326 = tpu.bitcast %parallel_loop3A_325 : vector<16xi32> -> vector<16xf32>
        %parallel_loop3A_327 = arith.constant -65536 : i32
        %parallel_loop3A_328 = vector.broadcast %parallel_loop3A_327 : i32 to vector<16xi32>
        %parallel_loop3A_329 = arith.andi %parallel_loop3A_322, %parallel_loop3A_328 : vector<16xi32>
        %parallel_loop3A_330 = tpu.bitcast %parallel_loop3A_329 : vector<16xi32> -> vector<16xf32>
        %parallel_loop3A_331 = arith.index_cast %parallel_loop3A_318 : i32 to index
        %parallel_loop3A_332 = arith.constant 0 : index
        %parallel_loop3A_333 = tpu.vector_load %arg9[%parallel_loop3A_331, %parallel_loop3A_332] {strides = array<i32>} : memref<200x128xf32, #tpu.memory_space<vmem>>, vector<1x16xf32>,
        %parallel_loop3A_334 = vector.shape_cast %parallel_loop3A_333 : vector<1x16xf32> to vector<16xf32>
        %parallel_loop3A_335 = arith.constant 11.3137083 : f32
        %parallel_loop3A_336 = vector.broadcast %parallel_loop3A_335 : f32 to vector<16xf32>
        %parallel_loop3A_337 = arith.mulf %parallel_loop3A_334, %parallel_loop3A_336 : vector<16xf32>
        %parallel_loop3A_338 = arith.addf %parallel_loop3A_337, %parallel_loop3A_326 : vector<16xf32>
        %parallel_loop3A_339 = arith.index_cast %parallel_loop3A_318 : i32 to index
        %parallel_loop3A_340 = arith.constant 0 : index
        %parallel_loop3A_341 = tpu.vector_load %arg9[%parallel_loop3A_339, %parallel_loop3A_340] {strides = array<i32>} : memref<200x128xf32, #tpu.memory_space<vmem>>, vector<1x16xf32>,
        %parallel_loop3A_342 = vector.shape_cast %parallel_loop3A_341 : vector<1x16xf32> to vector<16xf32>
        %parallel_loop3A_343 = vector.shape_cast %parallel_loop3A_338 : vector<16xf32> to vector<1x16xf32>
        tpu.vector_store %arg9[%parallel_loop3A_339, %parallel_loop3A_340], %parallel_loop3A_343 {strides = array<i32>} : memref<200x128xf32, #tpu.memory_space<vmem>>, vector<1x16xf32>,
        %parallel_loop3A_344 = arith.index_cast %parallel_loop3A_318 : i32 to index
        %parallel_loop3A_345 = arith.constant 16 : index
        %parallel_loop3A_346 = tpu.vector_load %arg9[%parallel_loop3A_344, %parallel_loop3A_345] {strides = array<i32>} : memref<200x128xf32, #tpu.memory_space<vmem>>, vector<1x16xf32>,
        %parallel_loop3A_347 = vector.shape_cast %parallel_loop3A_346 : vector<1x16xf32> to vector<16xf32>
        %parallel_loop3A_348 = arith.constant 11.3137083 : f32
        %parallel_loop3A_349 = vector.broadcast %parallel_loop3A_348 : f32 to vector<16xf32>
        %parallel_loop3A_350 = arith.mulf %parallel_loop3A_347, %parallel_loop3A_349 : vector<16xf32>
        %parallel_loop3A_351 = arith.addf %parallel_loop3A_350, %parallel_loop3A_330 : vector<16xf32>
        %parallel_loop3A_352 = arith.index_cast %parallel_loop3A_318 : i32 to index
        %parallel_loop3A_353 = arith.constant 16 : index
        %parallel_loop3A_354 = tpu.vector_load %arg9[%parallel_loop3A_352, %parallel_loop3A_353] {strides = array<i32>} : memref<200x128xf32, #tpu.memory_space<vmem>>, vector<1x16xf32>,
        %parallel_loop3A_355 = vector.shape_cast %parallel_loop3A_354 : vector<1x16xf32> to vector<16xf32>
        %parallel_loop3A_356 = vector.shape_cast %parallel_loop3A_351 : vector<16xf32> to vector<1x16xf32>
        tpu.vector_store %arg9[%parallel_loop3A_352, %parallel_loop3A_353], %parallel_loop3A_356 {strides = array<i32>} : memref<200x128xf32, #tpu.memory_space<vmem>>, vector<1x16xf32>,
        %parallel_loop3A_357 = arith.index_cast %parallel_loop3A_318 : i32 to index
        %parallel_loop3A_358 = arith.constant 16 : index
        %parallel_loop3A_359 = tpu.vector_load %arg7[%parallel_loop3A_357, %parallel_loop3A_358] {strides = array<i32>} : memref<200x64xi32, #tpu.memory_space<vmem>>, vector<1x16xi32>,
        %parallel_loop3A_360 = vector.shape_cast %parallel_loop3A_359 : vector<1x16xi32> to vector<16xi32>
        %parallel_loop3A_361 = arith.constant 16 : i32
        %parallel_loop3A_362 = vector.broadcast %parallel_loop3A_361 : i32 to vector<16xi32>
        %parallel_loop3A_363 = arith.shli %parallel_loop3A_360, %parallel_loop3A_362 : vector<16xi32>
        %parallel_loop3A_364 = tpu.bitcast %parallel_loop3A_363 : vector<16xi32> -> vector<16xf32>
        %parallel_loop3A_365 = arith.constant -65536 : i32
        %parallel_loop3A_366 = vector.broadcast %parallel_loop3A_365 : i32 to vector<16xi32>
        %parallel_loop3A_367 = arith.andi %parallel_loop3A_360, %parallel_loop3A_366 : vector<16xi32>
        %parallel_loop3A_368 = tpu.bitcast %parallel_loop3A_367 : vector<16xi32> -> vector<16xf32>
        %parallel_loop3A_369 = arith.index_cast %parallel_loop3A_318 : i32 to index
        %parallel_loop3A_370 = arith.constant 32 : index
        %parallel_loop3A_371 = tpu.vector_load %arg9[%parallel_loop3A_369, %parallel_loop3A_370] {strides = array<i32>} : memref<200x128xf32, #tpu.memory_space<vmem>>, vector<1x16xf32>,
        %parallel_loop3A_372 = vector.shape_cast %parallel_loop3A_371 : vector<1x16xf32> to vector<16xf32>
        %parallel_loop3A_373 = arith.constant 11.3137083 : f32
        %parallel_loop3A_374 = vector.broadcast %parallel_loop3A_373 : f32 to vector<16xf32>
        %parallel_loop3A_375 = arith.mulf %parallel_loop3A_372, %parallel_loop3A_374 : vector<16xf32>
        %parallel_loop3A_376 = arith.addf %parallel_loop3A_375, %parallel_loop3A_364 : vector<16xf32>
        %parallel_loop3A_377 = arith.index_cast %parallel_loop3A_318 : i32 to index
        %parallel_loop3A_378 = arith.constant 32 : index
        %parallel_loop3A_379 = tpu.vector_load %arg9[%parallel_loop3A_377, %parallel_loop3A_378] {strides = array<i32>} : memref<200x128xf32, #tpu.memory_space<vmem>>, vector<1x16xf32>,
        %parallel_loop3A_380 = vector.shape_cast %parallel_loop3A_379 : vector<1x16xf32> to vector<16xf32>
        %parallel_loop3A_381 = vector.shape_cast %parallel_loop3A_376 : vector<16xf32> to vector<1x16xf32>
        tpu.vector_store %arg9[%parallel_loop3A_377, %parallel_loop3A_378], %parallel_loop3A_381 {strides = array<i32>} : memref<200x128xf32, #tpu.memory_space<vmem>>, vector<1x16xf32>,
        %parallel_loop3A_382 = arith.index_cast %parallel_loop3A_318 : i32 to index
        %parallel_loop3A_383 = arith.constant 48 : index
        %parallel_loop3A_384 = tpu.vector_load %arg9[%parallel_loop3A_382, %parallel_loop3A_383] {strides = array<i32>} : memref<200x128xf32, #tpu.memory_space<vmem>>, vector<1x16xf32>,
        %parallel_loop3A_385 = vector.shape_cast %parallel_loop3A_384 : vector<1x16xf32> to vector<16xf32>
        %parallel_loop3A_386 = arith.constant 11.3137083 : f32
        %parallel_loop3A_387 = vector.broadcast %parallel_loop3A_386 : f32 to vector<16xf32>
        %parallel_loop3A_388 = arith.mulf %parallel_loop3A_385, %parallel_loop3A_387 : vector<16xf32>
        %parallel_loop3A_389 = arith.addf %parallel_loop3A_388, %parallel_loop3A_368 : vector<16xf32>
        %parallel_loop3A_390 = arith.index_cast %parallel_loop3A_318 : i32 to index
        %parallel_loop3A_391 = arith.constant 48 : index
        %parallel_loop3A_392 = tpu.vector_load %arg9[%parallel_loop3A_390, %parallel_loop3A_391] {strides = array<i32>} : memref<200x128xf32, #tpu.memory_space<vmem>>, vector<1x16xf32>,
        %parallel_loop3A_393 = vector.shape_cast %parallel_loop3A_392 : vector<1x16xf32> to vector<16xf32>
        %parallel_loop3A_394 = vector.shape_cast %parallel_loop3A_389 : vector<16xf32> to vector<1x16xf32>
        tpu.vector_store %arg9[%parallel_loop3A_390, %parallel_loop3A_391], %parallel_loop3A_394 {strides = array<i32>} : memref<200x128xf32, #tpu.memory_space<vmem>>, vector<1x16xf32>,
        %parallel_loop3A_395 = arith.index_cast %parallel_loop3A_318 : i32 to index
        %parallel_loop3A_396 = arith.constant 32 : index
        %parallel_loop3A_397 = tpu.vector_load %arg7[%parallel_loop3A_395, %parallel_loop3A_396] {strides = array<i32>} : memref<200x64xi32, #tpu.memory_space<vmem>>, vector<1x16xi32>,
        %parallel_loop3A_398 = vector.shape_cast %parallel_loop3A_397 : vector<1x16xi32> to vector<16xi32>
        %parallel_loop3A_399 = arith.constant 16 : i32
        %parallel_loop3A_400 = vector.broadcast %parallel_loop3A_399 : i32 to vector<16xi32>
        %parallel_loop3A_401 = arith.shli %parallel_loop3A_398, %parallel_loop3A_400 : vector<16xi32>
        %parallel_loop3A_402 = tpu.bitcast %parallel_loop3A_401 : vector<16xi32> -> vector<16xf32>
        %parallel_loop3A_403 = arith.constant -65536 : i32
        %parallel_loop3A_404 = vector.broadcast %parallel_loop3A_403 : i32 to vector<16xi32>
        %parallel_loop3A_405 = arith.andi %parallel_loop3A_398, %parallel_loop3A_404 : vector<16xi32>
        %parallel_loop3A_406 = tpu.bitcast %parallel_loop3A_405 : vector<16xi32> -> vector<16xf32>
        %parallel_loop3A_407 = arith.index_cast %parallel_loop3A_318 : i32 to index
        %parallel_loop3A_408 = arith.constant 64 : index
        %parallel_loop3A_409 = tpu.vector_load %arg9[%parallel_loop3A_407, %parallel_loop3A_408] {strides = array<i32>} : memref<200x128xf32, #tpu.memory_space<vmem>>, vector<1x16xf32>,
        %parallel_loop3A_410 = vector.shape_cast %parallel_loop3A_409 : vector<1x16xf32> to vector<16xf32>
        %parallel_loop3A_411 = arith.constant 11.3137083 : f32
        %parallel_loop3A_412 = vector.broadcast %parallel_loop3A_411 : f32 to vector<16xf32>
        %parallel_loop3A_413 = arith.mulf %parallel_loop3A_410, %parallel_loop3A_412 : vector<16xf32>
        %parallel_loop3A_414 = arith.addf %parallel_loop3A_413, %parallel_loop3A_402 : vector<16xf32>
        %parallel_loop3A_415 = arith.index_cast %parallel_loop3A_318 : i32 to index
        %parallel_loop3A_416 = arith.constant 64 : index
        %parallel_loop3A_417 = tpu.vector_load %arg9[%parallel_loop3A_415, %parallel_loop3A_416] {strides = array<i32>} : memref<200x128xf32, #tpu.memory_space<vmem>>, vector<1x16xf32>,
        %parallel_loop3A_418 = vector.shape_cast %parallel_loop3A_417 : vector<1x16xf32> to vector<16xf32>
        %parallel_loop3A_419 = vector.shape_cast %parallel_loop3A_414 : vector<16xf32> to vector<1x16xf32>
        tpu.vector_store %arg9[%parallel_loop3A_415, %parallel_loop3A_416], %parallel_loop3A_419 {strides = array<i32>} : memref<200x128xf32, #tpu.memory_space<vmem>>, vector<1x16xf32>,
        %parallel_loop3A_420 = arith.index_cast %parallel_loop3A_318 : i32 to index
        %parallel_loop3A_421 = arith.constant 80 : index
        %parallel_loop3A_422 = tpu.vector_load %arg9[%parallel_loop3A_420, %parallel_loop3A_421] {strides = array<i32>} : memref<200x128xf32, #tpu.memory_space<vmem>>, vector<1x16xf32>,
        %parallel_loop3A_423 = vector.shape_cast %parallel_loop3A_422 : vector<1x16xf32> to vector<16xf32>
        %parallel_loop3A_424 = arith.constant 11.3137083 : f32
        %parallel_loop3A_425 = vector.broadcast %parallel_loop3A_424 : f32 to vector<16xf32>
        %parallel_loop3A_426 = arith.mulf %parallel_loop3A_423, %parallel_loop3A_425 : vector<16xf32>
        %parallel_loop3A_427 = arith.addf %parallel_loop3A_426, %parallel_loop3A_406 : vector<16xf32>
        %parallel_loop3A_428 = arith.index_cast %parallel_loop3A_318 : i32 to index
        %parallel_loop3A_429 = arith.constant 80 : index
        %parallel_loop3A_430 = tpu.vector_load %arg9[%parallel_loop3A_428, %parallel_loop3A_429] {strides = array<i32>} : memref<200x128xf32, #tpu.memory_space<vmem>>, vector<1x16xf32>,
        %parallel_loop3A_431 = vector.shape_cast %parallel_loop3A_430 : vector<1x16xf32> to vector<16xf32>
        %parallel_loop3A_432 = vector.shape_cast %parallel_loop3A_427 : vector<16xf32> to vector<1x16xf32>
        tpu.vector_store %arg9[%parallel_loop3A_428, %parallel_loop3A_429], %parallel_loop3A_432 {strides = array<i32>} : memref<200x128xf32, #tpu.memory_space<vmem>>, vector<1x16xf32>,
        %parallel_loop3A_433 = arith.index_cast %parallel_loop3A_318 : i32 to index
        %parallel_loop3A_434 = arith.constant 48 : index
        %parallel_loop3A_435 = tpu.vector_load %arg7[%parallel_loop3A_433, %parallel_loop3A_434] {strides = array<i32>} : memref<200x64xi32, #tpu.memory_space<vmem>>, vector<1x16xi32>,
        %parallel_loop3A_436 = vector.shape_cast %parallel_loop3A_435 : vector<1x16xi32> to vector<16xi32>
        %parallel_loop3A_437 = arith.constant 16 : i32
        %parallel_loop3A_438 = vector.broadcast %parallel_loop3A_437 : i32 to vector<16xi32>
        %parallel_loop3A_439 = arith.shli %parallel_loop3A_436, %parallel_loop3A_438 : vector<16xi32>
        %parallel_loop3A_440 = tpu.bitcast %parallel_loop3A_439 : vector<16xi32> -> vector<16xf32>
        %parallel_loop3A_441 = arith.constant -65536 : i32
        %parallel_loop3A_442 = vector.broadcast %parallel_loop3A_441 : i32 to vector<16xi32>
        %parallel_loop3A_443 = arith.andi %parallel_loop3A_436, %parallel_loop3A_442 : vector<16xi32>
        %parallel_loop3A_444 = tpu.bitcast %parallel_loop3A_443 : vector<16xi32> -> vector<16xf32>
        %parallel_loop3A_445 = arith.index_cast %parallel_loop3A_318 : i32 to index
        %parallel_loop3A_446 = arith.constant 96 : index
        %parallel_loop3A_447 = tpu.vector_load %arg9[%parallel_loop3A_445, %parallel_loop3A_446] {strides = array<i32>} : memref<200x128xf32, #tpu.memory_space<vmem>>, vector<1x16xf32>,
        %parallel_loop3A_448 = vector.shape_cast %parallel_loop3A_447 : vector<1x16xf32> to vector<16xf32>
        %parallel_loop3A_449 = arith.constant 11.3137083 : f32
        %parallel_loop3A_450 = vector.broadcast %parallel_loop3A_449 : f32 to vector<16xf32>
        %parallel_loop3A_451 = arith.mulf %parallel_loop3A_448, %parallel_loop3A_450 : vector<16xf32>
        %parallel_loop3A_452 = arith.addf %parallel_loop3A_451, %parallel_loop3A_440 : vector<16xf32>
        %parallel_loop3A_453 = arith.index_cast %parallel_loop3A_318 : i32 to index
        %parallel_loop3A_454 = arith.constant 96 : index
        %parallel_loop3A_455 = tpu.vector_load %arg9[%parallel_loop3A_453, %parallel_loop3A_454] {strides = array<i32>} : memref<200x128xf32, #tpu.memory_space<vmem>>, vector<1x16xf32>,
        %parallel_loop3A_456 = vector.shape_cast %parallel_loop3A_455 : vector<1x16xf32> to vector<16xf32>
        %parallel_loop3A_457 = vector.shape_cast %parallel_loop3A_452 : vector<16xf32> to vector<1x16xf32>
        tpu.vector_store %arg9[%parallel_loop3A_453, %parallel_loop3A_454], %parallel_loop3A_457 {strides = array<i32>} : memref<200x128xf32, #tpu.memory_space<vmem>>, vector<1x16xf32>,
        %parallel_loop3A_458 = arith.index_cast %parallel_loop3A_318 : i32 to index
        %parallel_loop3A_459 = arith.constant 112 : index
        %parallel_loop3A_460 = tpu.vector_load %arg9[%parallel_loop3A_458, %parallel_loop3A_459] {strides = array<i32>} : memref<200x128xf32, #tpu.memory_space<vmem>>, vector<1x16xf32>,
        %parallel_loop3A_461 = vector.shape_cast %parallel_loop3A_460 : vector<1x16xf32> to vector<16xf32>
        %parallel_loop3A_462 = arith.constant 11.3137083 : f32
        %parallel_loop3A_463 = vector.broadcast %parallel_loop3A_462 : f32 to vector<16xf32>
        %parallel_loop3A_464 = arith.mulf %parallel_loop3A_461, %parallel_loop3A_463 : vector<16xf32>
        %parallel_loop3A_465 = arith.addf %parallel_loop3A_464, %parallel_loop3A_444 : vector<16xf32>
        %parallel_loop3A_466 = arith.index_cast %parallel_loop3A_318 : i32 to index
        %parallel_loop3A_467 = arith.constant 112 : index
        %parallel_loop3A_468 = tpu.vector_load %arg9[%parallel_loop3A_466, %parallel_loop3A_467] {strides = array<i32>} : memref<200x128xf32, #tpu.memory_space<vmem>>, vector<1x16xf32>,
        %parallel_loop3A_469 = vector.shape_cast %parallel_loop3A_468 : vector<1x16xf32> to vector<16xf32>
        %parallel_loop3A_470 = vector.shape_cast %parallel_loop3A_465 : vector<16xf32> to vector<1x16xf32>
        tpu.vector_store %arg9[%parallel_loop3A_466, %parallel_loop3A_467], %parallel_loop3A_470 {strides = array<i32>} : memref<200x128xf32, #tpu.memory_space<vmem>>, vector<1x16xf32>,
      } {sc.loop_unroll_factor = 1 : i64, sc.parallel_access}
      %mul3A_155 = arith.constant 200 : i32
      %mul3A_156 = arith.muli %add3A_119, %mul3A_155 : i32
      %add3A_157 = arith.addi %mul3A_2, %mul3A_156 : i32
      %dma_start3A_158 = arith.constant 0 : i32
      %dma_start3A_159 = tpu.memref_slice %arg5[%add3A_157, %dma_start3A_158] : memref<204800x128xf32, #tpu.memory_space<hbm>> -> memref<200x128xf32, #tpu.memory_space<hbm>>
      %dma_start3A_160 = arith.constant 0 : i32
      %dma_start3A_161 = tpu.memref_slice %arg5[%add3A_157, %dma_start3A_160] : memref<204800x128xf32, #tpu.memory_space<hbm>> -> memref<200x128xf32, #tpu.memory_space<hbm>>
      tpu.enqueue_dma source(%arg9 : memref<200x128xf32, #tpu.memory_space<vmem>>) target(%dma_start3A_161 : memref<200x128xf32, #tpu.memory_space<hbm>>) target_semaphore(%arg15 : memref<!tpu.dma_semaphore, #tpu.memory_space<semaphore_mem>>)
      %dma_wait3A_162 = arith.constant 0 : i32
      %dma_wait3A_163 = arith.constant 0 : i32
      %dma_wait3A_164 = arith.constant 0 : i32
      %dma_wait3A_165 = tpu.memref_slice %arg10[%dma_wait3A_163, %dma_wait3A_164] : memref<200x128xf32, #tpu.memory_space<vmem>> -> memref<100x128xf32, #tpu.memory_space<vmem>>
      %dma_wait3A_166 = arith.constant 0 : i32
      %dma_wait3A_167 = tpu.memref_slice %arg6[%dma_wait3A_162, %dma_wait3A_166] : memref<64x100xi32, #tpu.memory_space<vmem>> -> memref<1x100xi32, #tpu.memory_space<vmem>>
      %dma_wait3A_168 = tpu.memref_squeeze %dma_wait3A_167 : memref<1x100xi32, #tpu.memory_space<vmem>> -> memref<100xi32, #tpu.memory_space<vmem>>
      %dma_wait3A_169 = arith.constant 0 : i32
      %dma_wait3A_170 = arith.constant 0 : i32
      %dma_wait3A_171 = tpu.memref_slice %arg3[%dma_wait3A_169, %dma_wait3A_170] : memref<100000x128xf32, #tpu.memory_space<hbm>> -> memref<100000x128xf32, #tpu.memory_space<hbm>>
      tpu.wait_indirect_dma semaphore(%arg13 : memref<!tpu.dma_semaphore, #tpu.memory_space<semaphore_mem>>) src(%dma_wait3A_171 : memref<100000x128xf32, #tpu.memory_space<hbm>>) dst(%dma_wait3A_165 : memref<100x128xf32, #tpu.memory_space<vmem>>)
      %dma_wait3A_172 = arith.constant 0 : i32
      %dma_wait3A_173 = arith.constant 0 : i32
      %dma_wait3A_174 = arith.constant 0 : i32
      %dma_wait3A_175 = tpu.memref_slice %arg10[%dma_wait3A_173, %dma_wait3A_174] : memref<200x128xf32, #tpu.memory_space<vmem>> -> memref<100x128xf32, #tpu.memory_space<vmem>>
      %dma_wait3A_176 = arith.constant 0 : i32
      %dma_wait3A_177 = tpu.memref_slice %arg6[%dma_wait3A_172, %dma_wait3A_176] : memref<64x100xi32, #tpu.memory_space<vmem>> -> memref<1x100xi32, #tpu.memory_space<vmem>>
      %dma_wait3A_178 = tpu.memref_squeeze %dma_wait3A_177 : memref<1x100xi32, #tpu.memory_space<vmem>> -> memref<100xi32, #tpu.memory_space<vmem>>
      %dma_wait3A_179 = arith.constant 0 : i32
      %dma_wait3A_180 = arith.constant 0 : i32
      %dma_wait3A_181 = tpu.memref_slice %arg3[%dma_wait3A_179, %dma_wait3A_180] : memref<100000x128xf32, #tpu.memory_space<hbm>> -> memref<100000x128xf32, #tpu.memory_space<hbm>>
      tpu.wait_indirect_dma semaphore(%arg13 : memref<!tpu.dma_semaphore, #tpu.memory_space<semaphore_mem>>) src(%dma_wait3A_181 : memref<100000x128xf32, #tpu.memory_space<hbm>>) dst(%dma_wait3A_175 : memref<100x128xf32, #tpu.memory_space<vmem>>)
      %mul3A_182 = arith.constant 3 : i32
      %mul3A_183 = arith.muli %scan3A_113, %mul3A_182 : i32
      %add3A_184 = arith.constant 1 : i32
      %add3A_185 = arith.addi %add3A_184, %mul3A_183 : i32
      %add3A_186 = arith.constant 1 : i32
      %add3A_187 = arith.addi %add3A_185, %add3A_186 : i32
      %dma_wait3A_188 = arith.constant 0 : i32
      %dma_wait3A_189 = tpu.memref_slice %arg5[%mul3A_2, %dma_wait3A_188] : memref<204800x128xf32, #tpu.memory_space<hbm>> -> memref<200x128xf32, #tpu.memory_space<hbm>>
      %dma_wait3A_190 = arith.constant 0 : i32
      %dma_wait3A_191 = tpu.memref_slice %arg5[%mul3A_2, %dma_wait3A_190] : memref<204800x128xf32, #tpu.memory_space<hbm>> -> memref<200x128xf32, #tpu.memory_space<hbm>>
      tpu.wait_dma2 semaphore(%arg15 : memref<!tpu.dma_semaphore, #tpu.memory_space<semaphore_mem>>) src(%arg9 : memref<200x128xf32, #tpu.memory_space<vmem>>) dst(%dma_wait3A_191 : memref<200x128xf32, #tpu.memory_space<hbm>>)
      %add3A_192 = arith.constant 1 : i32
      %add3A_193 = arith.addi %add3A_187, %add3A_192 : i32
      %mul3A_194 = arith.constant 2 : i32
      %mul3A_195 = arith.muli %add3A_193, %mul3A_194 : i32
      %add3A_196 = arith.constant 0 : i32
      %add3A_197 = arith.addi %mul3A_195, %add3A_196 : i32
      %dma_start3A_198 = arith.constant 0 : i32
      %dma_start3A_199 = arith.constant 0 : i32
      %dma_start3A_200 = tpu.memref_slice %arg8[%dma_start3A_198, %dma_start3A_199] : memref<200x128xf32, #tpu.memory_space<vmem>> -> memref<100x128xf32, #tpu.memory_space<vmem>>
      %dma_start3A_201 = arith.constant 0 : i32
      %dma_start3A_202 = tpu.memref_slice %arg6[%add3A_197, %dma_start3A_201] : memref<64x100xi32, #tpu.memory_space<vmem>> -> memref<1x100xi32, #tpu.memory_space<vmem>>
      %dma_start3A_203 = tpu.memref_squeeze %dma_start3A_202 : memref<1x100xi32, #tpu.memory_space<vmem>> -> memref<100xi32, #tpu.memory_space<vmem>>
      %dma_start3A_204 = arith.constant 0 : i32
      %dma_start3A_205 = arith.constant 0 : i32
      %dma_start3A_206 = tpu.memref_slice %arg3[%dma_start3A_204, %dma_start3A_205] : memref<100000x128xf32, #tpu.memory_space<hbm>> -> memref<100000x128xf32, #tpu.memory_space<hbm>>
      tpu.enqueue_indirect_dma source(%dma_start3A_206 : memref<100000x128xf32, #tpu.memory_space<hbm>>) target(%dma_start3A_200 : memref<100x128xf32, #tpu.memory_space<vmem>>) offsets(%dma_start3A_203 : memref<100xi32, #tpu.memory_space<vmem>>) semaphore(%arg11 : memref<!tpu.dma_semaphore, #tpu.memory_space<semaphore_mem>>)
      %mul3A_207 = arith.constant 2 : i32
      %mul3A_208 = arith.muli %add3A_193, %mul3A_207 : i32
      %add3A_209 = arith.constant 1 : i32
      %add3A_210 = arith.addi %mul3A_208, %add3A_209 : i32
      %dma_start3A_211 = arith.constant 100 : i32
      %dma_start3A_212 = arith.constant 0 : i32
      %dma_start3A_213 = tpu.memref_slice %arg8[%dma_start3A_211, %dma_start3A_212] : memref<200x128xf32, #tpu.memory_space<vmem>> -> memref<100x128xf32, #tpu.memory_space<vmem>>
      %dma_start3A_214 = arith.constant 0 : i32
      %dma_start3A_215 = tpu.memref_slice %arg6[%add3A_210, %dma_start3A_214] : memref<64x100xi32, #tpu.memory_space<vmem>> -> memref<1x100xi32, #tpu.memory_space<vmem>>
      %dma_start3A_216 = tpu.memref_squeeze %dma_start3A_215 : memref<1x100xi32, #tpu.memory_space<vmem>> -> memref<100xi32, #tpu.memory_space<vmem>>
      %dma_start3A_217 = arith.constant 0 : i32
      %dma_start3A_218 = arith.constant 0 : i32
      %dma_start3A_219 = tpu.memref_slice %arg3[%dma_start3A_217, %dma_start3A_218] : memref<100000x128xf32, #tpu.memory_space<hbm>> -> memref<100000x128xf32, #tpu.memory_space<hbm>>
      tpu.enqueue_indirect_dma source(%dma_start3A_219 : memref<100000x128xf32, #tpu.memory_space<hbm>>) target(%dma_start3A_213 : memref<100x128xf32, #tpu.memory_space<vmem>>) offsets(%dma_start3A_216 : memref<100xi32, #tpu.memory_space<vmem>>) semaphore(%arg11 : memref<!tpu.dma_semaphore, #tpu.memory_space<semaphore_mem>>)
      %parallel_loop3A_220 = arith.constant 0 : i32
      %parallel_loop3A_221 = arith.constant 200 : i32
      %parallel_loop3A_222 = arith.constant 1 : i32
      scf.for %parallel_loop3A_318 = %parallel_loop3A_220 to %parallel_loop3A_221 step %parallel_loop3A_222  : i32 {
        %parallel_loop3A_319 = arith.index_cast %parallel_loop3A_318 : i32 to index
        %parallel_loop3A_320 = arith.constant 0 : index
        %parallel_loop3A_321 = tpu.vector_load %arg7[%parallel_loop3A_319, %parallel_loop3A_320] {strides = array<i32>} : memref<200x64xi32, #tpu.memory_space<vmem>>, vector<1x16xi32>,
        %parallel_loop3A_322 = vector.shape_cast %parallel_loop3A_321 : vector<1x16xi32> to vector<16xi32>
        %parallel_loop3A_323 = arith.constant 16 : i32
        %parallel_loop3A_324 = vector.broadcast %parallel_loop3A_323 : i32 to vector<16xi32>
        %parallel_loop3A_325 = arith.shli %parallel_loop3A_322, %parallel_loop3A_324 : vector<16xi32>
        %parallel_loop3A_326 = tpu.bitcast %parallel_loop3A_325 : vector<16xi32> -> vector<16xf32>
        %parallel_loop3A_327 = arith.constant -65536 : i32
        %parallel_loop3A_328 = vector.broadcast %parallel_loop3A_327 : i32 to vector<16xi32>
        %parallel_loop3A_329 = arith.andi %parallel_loop3A_322, %parallel_loop3A_328 : vector<16xi32>
        %parallel_loop3A_330 = tpu.bitcast %parallel_loop3A_329 : vector<16xi32> -> vector<16xf32>
        %parallel_loop3A_331 = arith.index_cast %parallel_loop3A_318 : i32 to index
        %parallel_loop3A_332 = arith.constant 0 : index
        %parallel_loop3A_333 = tpu.vector_load %arg10[%parallel_loop3A_331, %parallel_loop3A_332] {strides = array<i32>} : memref<200x128xf32, #tpu.memory_space<vmem>>, vector<1x16xf32>,
        %parallel_loop3A_334 = vector.shape_cast %parallel_loop3A_333 : vector<1x16xf32> to vector<16xf32>
        %parallel_loop3A_335 = arith.constant 11.3137083 : f32
        %parallel_loop3A_336 = vector.broadcast %parallel_loop3A_335 : f32 to vector<16xf32>
        %parallel_loop3A_337 = arith.mulf %parallel_loop3A_334, %parallel_loop3A_336 : vector<16xf32>
        %parallel_loop3A_338 = arith.addf %parallel_loop3A_337, %parallel_loop3A_326 : vector<16xf32>
        %parallel_loop3A_339 = arith.index_cast %parallel_loop3A_318 : i32 to index
        %parallel_loop3A_340 = arith.constant 0 : index
        %parallel_loop3A_341 = tpu.vector_load %arg10[%parallel_loop3A_339, %parallel_loop3A_340] {strides = array<i32>} : memref<200x128xf32, #tpu.memory_space<vmem>>, vector<1x16xf32>,
        %parallel_loop3A_342 = vector.shape_cast %parallel_loop3A_341 : vector<1x16xf32> to vector<16xf32>
        %parallel_loop3A_343 = vector.shape_cast %parallel_loop3A_338 : vector<16xf32> to vector<1x16xf32>
        tpu.vector_store %arg10[%parallel_loop3A_339, %parallel_loop3A_340], %parallel_loop3A_343 {strides = array<i32>} : memref<200x128xf32, #tpu.memory_space<vmem>>, vector<1x16xf32>,
        %parallel_loop3A_344 = arith.index_cast %parallel_loop3A_318 : i32 to index
        %parallel_loop3A_345 = arith.constant 16 : index
        %parallel_loop3A_346 = tpu.vector_load %arg10[%parallel_loop3A_344, %parallel_loop3A_345] {strides = array<i32>} : memref<200x128xf32, #tpu.memory_space<vmem>>, vector<1x16xf32>,
        %parallel_loop3A_347 = vector.shape_cast %parallel_loop3A_346 : vector<1x16xf32> to vector<16xf32>
        %parallel_loop3A_348 = arith.constant 11.3137083 : f32
        %parallel_loop3A_349 = vector.broadcast %parallel_loop3A_348 : f32 to vector<16xf32>
        %parallel_loop3A_350 = arith.mulf %parallel_loop3A_347, %parallel_loop3A_349 : vector<16xf32>
        %parallel_loop3A_351 = arith.addf %parallel_loop3A_350, %parallel_loop3A_330 : vector<16xf32>
        %parallel_loop3A_352 = arith.index_cast %parallel_loop3A_318 : i32 to index
        %parallel_loop3A_353 = arith.constant 16 : index
        %parallel_loop3A_354 = tpu.vector_load %arg10[%parallel_loop3A_352, %parallel_loop3A_353] {strides = array<i32>} : memref<200x128xf32, #tpu.memory_space<vmem>>, vector<1x16xf32>,
        %parallel_loop3A_355 = vector.shape_cast %parallel_loop3A_354 : vector<1x16xf32> to vector<16xf32>
        %parallel_loop3A_356 = vector.shape_cast %parallel_loop3A_351 : vector<16xf32> to vector<1x16xf32>
        tpu.vector_store %arg10[%parallel_loop3A_352, %parallel_loop3A_353], %parallel_loop3A_356 {strides = array<i32>} : memref<200x128xf32, #tpu.memory_space<vmem>>, vector<1x16xf32>,
        %parallel_loop3A_357 = arith.index_cast %parallel_loop3A_318 : i32 to index
        %parallel_loop3A_358 = arith.constant 16 : index
        %parallel_loop3A_359 = tpu.vector_load %arg7[%parallel_loop3A_357, %parallel_loop3A_358] {strides = array<i32>} : memref<200x64xi32, #tpu.memory_space<vmem>>, vector<1x16xi32>,
        %parallel_loop3A_360 = vector.shape_cast %parallel_loop3A_359 : vector<1x16xi32> to vector<16xi32>
        %parallel_loop3A_361 = arith.constant 16 : i32
        %parallel_loop3A_362 = vector.broadcast %parallel_loop3A_361 : i32 to vector<16xi32>
        %parallel_loop3A_363 = arith.shli %parallel_loop3A_360, %parallel_loop3A_362 : vector<16xi32>
        %parallel_loop3A_364 = tpu.bitcast %parallel_loop3A_363 : vector<16xi32> -> vector<16xf32>
        %parallel_loop3A_365 = arith.constant -65536 : i32
        %parallel_loop3A_366 = vector.broadcast %parallel_loop3A_365 : i32 to vector<16xi32>
        %parallel_loop3A_367 = arith.andi %parallel_loop3A_360, %parallel_loop3A_366 : vector<16xi32>
        %parallel_loop3A_368 = tpu.bitcast %parallel_loop3A_367 : vector<16xi32> -> vector<16xf32>
        %parallel_loop3A_369 = arith.index_cast %parallel_loop3A_318 : i32 to index
        %parallel_loop3A_370 = arith.constant 32 : index
        %parallel_loop3A_371 = tpu.vector_load %arg10[%parallel_loop3A_369, %parallel_loop3A_370] {strides = array<i32>} : memref<200x128xf32, #tpu.memory_space<vmem>>, vector<1x16xf32>,
        %parallel_loop3A_372 = vector.shape_cast %parallel_loop3A_371 : vector<1x16xf32> to vector<16xf32>
        %parallel_loop3A_373 = arith.constant 11.3137083 : f32
        %parallel_loop3A_374 = vector.broadcast %parallel_loop3A_373 : f32 to vector<16xf32>
        %parallel_loop3A_375 = arith.mulf %parallel_loop3A_372, %parallel_loop3A_374 : vector<16xf32>
        %parallel_loop3A_376 = arith.addf %parallel_loop3A_375, %parallel_loop3A_364 : vector<16xf32>
        %parallel_loop3A_377 = arith.index_cast %parallel_loop3A_318 : i32 to index
        %parallel_loop3A_378 = arith.constant 32 : index
        %parallel_loop3A_379 = tpu.vector_load %arg10[%parallel_loop3A_377, %parallel_loop3A_378] {strides = array<i32>} : memref<200x128xf32, #tpu.memory_space<vmem>>, vector<1x16xf32>,
        %parallel_loop3A_380 = vector.shape_cast %parallel_loop3A_379 : vector<1x16xf32> to vector<16xf32>
        %parallel_loop3A_381 = vector.shape_cast %parallel_loop3A_376 : vector<16xf32> to vector<1x16xf32>
        tpu.vector_store %arg10[%parallel_loop3A_377, %parallel_loop3A_378], %parallel_loop3A_381 {strides = array<i32>} : memref<200x128xf32, #tpu.memory_space<vmem>>, vector<1x16xf32>,
        %parallel_loop3A_382 = arith.index_cast %parallel_loop3A_318 : i32 to index
        %parallel_loop3A_383 = arith.constant 48 : index
        %parallel_loop3A_384 = tpu.vector_load %arg10[%parallel_loop3A_382, %parallel_loop3A_383] {strides = array<i32>} : memref<200x128xf32, #tpu.memory_space<vmem>>, vector<1x16xf32>,
        %parallel_loop3A_385 = vector.shape_cast %parallel_loop3A_384 : vector<1x16xf32> to vector<16xf32>
        %parallel_loop3A_386 = arith.constant 11.3137083 : f32
        %parallel_loop3A_387 = vector.broadcast %parallel_loop3A_386 : f32 to vector<16xf32>
        %parallel_loop3A_388 = arith.mulf %parallel_loop3A_385, %parallel_loop3A_387 : vector<16xf32>
        %parallel_loop3A_389 = arith.addf %parallel_loop3A_388, %parallel_loop3A_368 : vector<16xf32>
        %parallel_loop3A_390 = arith.index_cast %parallel_loop3A_318 : i32 to index
        %parallel_loop3A_391 = arith.constant 48 : index
        %parallel_loop3A_392 = tpu.vector_load %arg10[%parallel_loop3A_390, %parallel_loop3A_391] {strides = array<i32>} : memref<200x128xf32, #tpu.memory_space<vmem>>, vector<1x16xf32>,
        %parallel_loop3A_393 = vector.shape_cast %parallel_loop3A_392 : vector<1x16xf32> to vector<16xf32>
        %parallel_loop3A_394 = vector.shape_cast %parallel_loop3A_389 : vector<16xf32> to vector<1x16xf32>
        tpu.vector_store %arg10[%parallel_loop3A_390, %parallel_loop3A_391], %parallel_loop3A_394 {strides = array<i32>} : memref<200x128xf32, #tpu.memory_space<vmem>>, vector<1x16xf32>,
        %parallel_loop3A_395 = arith.index_cast %parallel_loop3A_318 : i32 to index
        %parallel_loop3A_396 = arith.constant 32 : index
        %parallel_loop3A_397 = tpu.vector_load %arg7[%parallel_loop3A_395, %parallel_loop3A_396] {strides = array<i32>} : memref<200x64xi32, #tpu.memory_space<vmem>>, vector<1x16xi32>,
        %parallel_loop3A_398 = vector.shape_cast %parallel_loop3A_397 : vector<1x16xi32> to vector<16xi32>
        %parallel_loop3A_399 = arith.constant 16 : i32
        %parallel_loop3A_400 = vector.broadcast %parallel_loop3A_399 : i32 to vector<16xi32>
        %parallel_loop3A_401 = arith.shli %parallel_loop3A_398, %parallel_loop3A_400 : vector<16xi32>
        %parallel_loop3A_402 = tpu.bitcast %parallel_loop3A_401 : vector<16xi32> -> vector<16xf32>
        %parallel_loop3A_403 = arith.constant -65536 : i32
        %parallel_loop3A_404 = vector.broadcast %parallel_loop3A_403 : i32 to vector<16xi32>
        %parallel_loop3A_405 = arith.andi %parallel_loop3A_398, %parallel_loop3A_404 : vector<16xi32>
        %parallel_loop3A_406 = tpu.bitcast %parallel_loop3A_405 : vector<16xi32> -> vector<16xf32>
        %parallel_loop3A_407 = arith.index_cast %parallel_loop3A_318 : i32 to index
        %parallel_loop3A_408 = arith.constant 64 : index
        %parallel_loop3A_409 = tpu.vector_load %arg10[%parallel_loop3A_407, %parallel_loop3A_408] {strides = array<i32>} : memref<200x128xf32, #tpu.memory_space<vmem>>, vector<1x16xf32>,
        %parallel_loop3A_410 = vector.shape_cast %parallel_loop3A_409 : vector<1x16xf32> to vector<16xf32>
        %parallel_loop3A_411 = arith.constant 11.3137083 : f32
        %parallel_loop3A_412 = vector.broadcast %parallel_loop3A_411 : f32 to vector<16xf32>
        %parallel_loop3A_413 = arith.mulf %parallel_loop3A_410, %parallel_loop3A_412 : vector<16xf32>
        %parallel_loop3A_414 = arith.addf %parallel_loop3A_413, %parallel_loop3A_402 : vector<16xf32>
        %parallel_loop3A_415 = arith.index_cast %parallel_loop3A_318 : i32 to index
        %parallel_loop3A_416 = arith.constant 64 : index
        %parallel_loop3A_417 = tpu.vector_load %arg10[%parallel_loop3A_415, %parallel_loop3A_416] {strides = array<i32>} : memref<200x128xf32, #tpu.memory_space<vmem>>, vector<1x16xf32>,
        %parallel_loop3A_418 = vector.shape_cast %parallel_loop3A_417 : vector<1x16xf32> to vector<16xf32>
        %parallel_loop3A_419 = vector.shape_cast %parallel_loop3A_414 : vector<16xf32> to vector<1x16xf32>
        tpu.vector_store %arg10[%parallel_loop3A_415, %parallel_loop3A_416], %parallel_loop3A_419 {strides = array<i32>} : memref<200x128xf32, #tpu.memory_space<vmem>>, vector<1x16xf32>,
        %parallel_loop3A_420 = arith.index_cast %parallel_loop3A_318 : i32 to index
        %parallel_loop3A_421 = arith.constant 80 : index
        %parallel_loop3A_422 = tpu.vector_load %arg10[%parallel_loop3A_420, %parallel_loop3A_421] {strides = array<i32>} : memref<200x128xf32, #tpu.memory_space<vmem>>, vector<1x16xf32>,
        %parallel_loop3A_423 = vector.shape_cast %parallel_loop3A_422 : vector<1x16xf32> to vector<16xf32>
        %parallel_loop3A_424 = arith.constant 11.3137083 : f32
        %parallel_loop3A_425 = vector.broadcast %parallel_loop3A_424 : f32 to vector<16xf32>
        %parallel_loop3A_426 = arith.mulf %parallel_loop3A_423, %parallel_loop3A_425 : vector<16xf32>
        %parallel_loop3A_427 = arith.addf %parallel_loop3A_426, %parallel_loop3A_406 : vector<16xf32>
        %parallel_loop3A_428 = arith.index_cast %parallel_loop3A_318 : i32 to index
        %parallel_loop3A_429 = arith.constant 80 : index
        %parallel_loop3A_430 = tpu.vector_load %arg10[%parallel_loop3A_428, %parallel_loop3A_429] {strides = array<i32>} : memref<200x128xf32, #tpu.memory_space<vmem>>, vector<1x16xf32>,
        %parallel_loop3A_431 = vector.shape_cast %parallel_loop3A_430 : vector<1x16xf32> to vector<16xf32>
        %parallel_loop3A_432 = vector.shape_cast %parallel_loop3A_427 : vector<16xf32> to vector<1x16xf32>
        tpu.vector_store %arg10[%parallel_loop3A_428, %parallel_loop3A_429], %parallel_loop3A_432 {strides = array<i32>} : memref<200x128xf32, #tpu.memory_space<vmem>>, vector<1x16xf32>,
        %parallel_loop3A_433 = arith.index_cast %parallel_loop3A_318 : i32 to index
        %parallel_loop3A_434 = arith.constant 48 : index
        %parallel_loop3A_435 = tpu.vector_load %arg7[%parallel_loop3A_433, %parallel_loop3A_434] {strides = array<i32>} : memref<200x64xi32, #tpu.memory_space<vmem>>, vector<1x16xi32>,
        %parallel_loop3A_436 = vector.shape_cast %parallel_loop3A_435 : vector<1x16xi32> to vector<16xi32>
        %parallel_loop3A_437 = arith.constant 16 : i32
        %parallel_loop3A_438 = vector.broadcast %parallel_loop3A_437 : i32 to vector<16xi32>
        %parallel_loop3A_439 = arith.shli %parallel_loop3A_436, %parallel_loop3A_438 : vector<16xi32>
        %parallel_loop3A_440 = tpu.bitcast %parallel_loop3A_439 : vector<16xi32> -> vector<16xf32>
        %parallel_loop3A_441 = arith.constant -65536 : i32
        %parallel_loop3A_442 = vector.broadcast %parallel_loop3A_441 : i32 to vector<16xi32>
        %parallel_loop3A_443 = arith.andi %parallel_loop3A_436, %parallel_loop3A_442 : vector<16xi32>
        %parallel_loop3A_444 = tpu.bitcast %parallel_loop3A_443 : vector<16xi32> -> vector<16xf32>
        %parallel_loop3A_445 = arith.index_cast %parallel_loop3A_318 : i32 to index
        %parallel_loop3A_446 = arith.constant 96 : index
        %parallel_loop3A_447 = tpu.vector_load %arg10[%parallel_loop3A_445, %parallel_loop3A_446] {strides = array<i32>} : memref<200x128xf32, #tpu.memory_space<vmem>>, vector<1x16xf32>,
        %parallel_loop3A_448 = vector.shape_cast %parallel_loop3A_447 : vector<1x16xf32> to vector<16xf32>
        %parallel_loop3A_449 = arith.constant 11.3137083 : f32
        %parallel_loop3A_450 = vector.broadcast %parallel_loop3A_449 : f32 to vector<16xf32>
        %parallel_loop3A_451 = arith.mulf %parallel_loop3A_448, %parallel_loop3A_450 : vector<16xf32>
        %parallel_loop3A_452 = arith.addf %parallel_loop3A_451, %parallel_loop3A_440 : vector<16xf32>
        %parallel_loop3A_453 = arith.index_cast %parallel_loop3A_318 : i32 to index
        %parallel_loop3A_454 = arith.constant 96 : index
        %parallel_loop3A_455 = tpu.vector_load %arg10[%parallel_loop3A_453, %parallel_loop3A_454] {strides = array<i32>} : memref<200x128xf32, #tpu.memory_space<vmem>>, vector<1x16xf32>,
        %parallel_loop3A_456 = vector.shape_cast %parallel_loop3A_455 : vector<1x16xf32> to vector<16xf32>
        %parallel_loop3A_457 = vector.shape_cast %parallel_loop3A_452 : vector<16xf32> to vector<1x16xf32>
        tpu.vector_store %arg10[%parallel_loop3A_453, %parallel_loop3A_454], %parallel_loop3A_457 {strides = array<i32>} : memref<200x128xf32, #tpu.memory_space<vmem>>, vector<1x16xf32>,
        %parallel_loop3A_458 = arith.index_cast %parallel_loop3A_318 : i32 to index
        %parallel_loop3A_459 = arith.constant 112 : index
        %parallel_loop3A_460 = tpu.vector_load %arg10[%parallel_loop3A_458, %parallel_loop3A_459] {strides = array<i32>} : memref<200x128xf32, #tpu.memory_space<vmem>>, vector<1x16xf32>,
        %parallel_loop3A_461 = vector.shape_cast %parallel_loop3A_460 : vector<1x16xf32> to vector<16xf32>
        %parallel_loop3A_462 = arith.constant 11.3137083 : f32
        %parallel_loop3A_463 = vector.broadcast %parallel_loop3A_462 : f32 to vector<16xf32>
        %parallel_loop3A_464 = arith.mulf %parallel_loop3A_461, %parallel_loop3A_463 : vector<16xf32>
        %parallel_loop3A_465 = arith.addf %parallel_loop3A_464, %parallel_loop3A_444 : vector<16xf32>
        %parallel_loop3A_466 = arith.index_cast %parallel_loop3A_318 : i32 to index
        %parallel_loop3A_467 = arith.constant 112 : index
        %parallel_loop3A_468 = tpu.vector_load %arg10[%parallel_loop3A_466, %parallel_loop3A_467] {strides = array<i32>} : memref<200x128xf32, #tpu.memory_space<vmem>>, vector<1x16xf32>,
        %parallel_loop3A_469 = vector.shape_cast %parallel_loop3A_468 : vector<1x16xf32> to vector<16xf32>
        %parallel_loop3A_470 = vector.shape_cast %parallel_loop3A_465 : vector<16xf32> to vector<1x16xf32>
        tpu.vector_store %arg10[%parallel_loop3A_466, %parallel_loop3A_467], %parallel_loop3A_470 {strides = array<i32>} : memref<200x128xf32, #tpu.memory_space<vmem>>, vector<1x16xf32>,
      } {sc.loop_unroll_factor = 1 : i64, sc.parallel_access}
      %mul3A_223 = arith.constant 200 : i32
      %mul3A_224 = arith.muli %add3A_187, %mul3A_223 : i32
      %add3A_225 = arith.addi %mul3A_2, %mul3A_224 : i32
      %dma_start3A_226 = arith.constant 0 : i32
      %dma_start3A_227 = tpu.memref_slice %arg5[%add3A_225, %dma_start3A_226] : memref<204800x128xf32, #tpu.memory_space<hbm>> -> memref<200x128xf32, #tpu.memory_space<hbm>>
      %dma_start3A_228 = arith.constant 0 : i32
      %dma_start3A_229 = tpu.memref_slice %arg5[%add3A_225, %dma_start3A_228] : memref<204800x128xf32, #tpu.memory_space<hbm>> -> memref<200x128xf32, #tpu.memory_space<hbm>>
      tpu.enqueue_dma source(%arg10 : memref<200x128xf32, #tpu.memory_space<vmem>>) target(%dma_start3A_229 : memref<200x128xf32, #tpu.memory_space<hbm>>) target_semaphore(%arg16 : memref<!tpu.dma_semaphore, #tpu.memory_space<semaphore_mem>>)
      %dma_wait3A_230 = arith.constant 0 : i32
      %dma_wait3A_231 = arith.constant 0 : i32
      %dma_wait3A_232 = arith.constant 0 : i32
      %dma_wait3A_233 = tpu.memref_slice %arg8[%dma_wait3A_231, %dma_wait3A_232] : memref<200x128xf32, #tpu.memory_space<vmem>> -> memref<100x128xf32, #tpu.memory_space<vmem>>
      %dma_wait3A_234 = arith.constant 0 : i32
      %dma_wait3A_235 = tpu.memref_slice %arg6[%dma_wait3A_230, %dma_wait3A_234] : memref<64x100xi32, #tpu.memory_space<vmem>> -> memref<1x100xi32, #tpu.memory_space<vmem>>
      %dma_wait3A_236 = tpu.memref_squeeze %dma_wait3A_235 : memref<1x100xi32, #tpu.memory_space<vmem>> -> memref<100xi32, #tpu.memory_space<vmem>>
      %dma_wait3A_237 = arith.constant 0 : i32
      %dma_wait3A_238 = arith.constant 0 : i32
      %dma_wait3A_239 = tpu.memref_slice %arg3[%dma_wait3A_237, %dma_wait3A_238] : memref<100000x128xf32, #tpu.memory_space<hbm>> -> memref<100000x128xf32, #tpu.memory_space<hbm>>
      tpu.wait_indirect_dma semaphore(%arg11 : memref<!tpu.dma_semaphore, #tpu.memory_space<semaphore_mem>>) src(%dma_wait3A_239 : memref<100000x128xf32, #tpu.memory_space<hbm>>) dst(%dma_wait3A_233 : memref<100x128xf32, #tpu.memory_space<vmem>>)
      %dma_wait3A_240 = arith.constant 0 : i32
      %dma_wait3A_241 = arith.constant 0 : i32
      %dma_wait3A_242 = arith.constant 0 : i32
      %dma_wait3A_243 = tpu.memref_slice %arg8[%dma_wait3A_241, %dma_wait3A_242] : memref<200x128xf32, #tpu.memory_space<vmem>> -> memref<100x128xf32, #tpu.memory_space<vmem>>
      %dma_wait3A_244 = arith.constant 0 : i32
      %dma_wait3A_245 = tpu.memref_slice %arg6[%dma_wait3A_240, %dma_wait3A_244] : memref<64x100xi32, #tpu.memory_space<vmem>> -> memref<1x100xi32, #tpu.memory_space<vmem>>
      %dma_wait3A_246 = tpu.memref_squeeze %dma_wait3A_245 : memref<1x100xi32, #tpu.memory_space<vmem>> -> memref<100xi32, #tpu.memory_space<vmem>>
      %dma_wait3A_247 = arith.constant 0 : i32
      %dma_wait3A_248 = arith.constant 0 : i32
      %dma_wait3A_249 = tpu.memref_slice %arg3[%dma_wait3A_247, %dma_wait3A_248] : memref<100000x128xf32, #tpu.memory_space<hbm>> -> memref<100000x128xf32, #tpu.memory_space<hbm>>
      tpu.wait_indirect_dma semaphore(%arg11 : memref<!tpu.dma_semaphore, #tpu.memory_space<semaphore_mem>>) src(%dma_wait3A_249 : memref<100000x128xf32, #tpu.memory_space<hbm>>) dst(%dma_wait3A_243 : memref<100x128xf32, #tpu.memory_space<vmem>>)
      %mul3A_250 = arith.constant 3 : i32
      %mul3A_251 = arith.muli %scan3A_113, %mul3A_250 : i32
      %add3A_252 = arith.constant 1 : i32
      %add3A_253 = arith.addi %add3A_252, %mul3A_251 : i32
      %add3A_254 = arith.constant 2 : i32
      %add3A_255 = arith.addi %add3A_253, %add3A_254 : i32
      %dma_wait3A_256 = arith.constant 0 : i32
      %dma_wait3A_257 = tpu.memref_slice %arg5[%mul3A_2, %dma_wait3A_256] : memref<204800x128xf32, #tpu.memory_space<hbm>> -> memref<200x128xf32, #tpu.memory_space<hbm>>
      %dma_wait3A_258 = arith.constant 0 : i32
      %dma_wait3A_259 = tpu.memref_slice %arg5[%mul3A_2, %dma_wait3A_258] : memref<204800x128xf32, #tpu.memory_space<hbm>> -> memref<200x128xf32, #tpu.memory_space<hbm>>
      tpu.wait_dma2 semaphore(%arg16 : memref<!tpu.dma_semaphore, #tpu.memory_space<semaphore_mem>>) src(%arg10 : memref<200x128xf32, #tpu.memory_space<vmem>>) dst(%dma_wait3A_259 : memref<200x128xf32, #tpu.memory_space<hbm>>)
      %add3A_260 = arith.constant 1 : i32
      %add3A_261 = arith.addi %add3A_255, %add3A_260 : i32
      %mul3A_262 = arith.constant 2 : i32
      %mul3A_263 = arith.muli %add3A_261, %mul3A_262 : i32
      %add3A_264 = arith.constant 0 : i32
      %add3A_265 = arith.addi %mul3A_263, %add3A_264 : i32
      %dma_start3A_266 = arith.constant 0 : i32
      %dma_start3A_267 = arith.constant 0 : i32
      %dma_start3A_268 = tpu.memref_slice %arg9[%dma_start3A_266, %dma_start3A_267] : memref<200x128xf32, #tpu.memory_space<vmem>> -> memref<100x128xf32, #tpu.memory_space<vmem>>
      %dma_start3A_269 = arith.constant 0 : i32
      %dma_start3A_270 = tpu.memref_slice %arg6[%add3A_265, %dma_start3A_269] : memref<64x100xi32, #tpu.memory_space<vmem>> -> memref<1x100xi32, #tpu.memory_space<vmem>>
      %dma_start3A_271 = tpu.memref_squeeze %dma_start3A_270 : memref<1x100xi32, #tpu.memory_space<vmem>> -> memref<100xi32, #tpu.memory_space<vmem>>
      %dma_start3A_272 = arith.constant 0 : i32
      %dma_start3A_273 = arith.constant 0 : i32
      %dma_start3A_274 = tpu.memref_slice %arg3[%dma_start3A_272, %dma_start3A_273] : memref<100000x128xf32, #tpu.memory_space<hbm>> -> memref<100000x128xf32, #tpu.memory_space<hbm>>
      tpu.enqueue_indirect_dma source(%dma_start3A_274 : memref<100000x128xf32, #tpu.memory_space<hbm>>) target(%dma_start3A_268 : memref<100x128xf32, #tpu.memory_space<vmem>>) offsets(%dma_start3A_271 : memref<100xi32, #tpu.memory_space<vmem>>) semaphore(%arg12 : memref<!tpu.dma_semaphore, #tpu.memory_space<semaphore_mem>>)
      %mul3A_275 = arith.constant 2 : i32
      %mul3A_276 = arith.muli %add3A_261, %mul3A_275 : i32
      %add3A_277 = arith.constant 1 : i32
      %add3A_278 = arith.addi %mul3A_276, %add3A_277 : i32
      %dma_start3A_279 = arith.constant 100 : i32
      %dma_start3A_280 = arith.constant 0 : i32
      %dma_start3A_281 = tpu.memref_slice %arg9[%dma_start3A_279, %dma_start3A_280] : memref<200x128xf32, #tpu.memory_space<vmem>> -> memref<100x128xf32, #tpu.memory_space<vmem>>
      %dma_start3A_282 = arith.constant 0 : i32
      %dma_start3A_283 = tpu.memref_slice %arg6[%add3A_278, %dma_start3A_282] : memref<64x100xi32, #tpu.memory_space<vmem>> -> memref<1x100xi32, #tpu.memory_space<vmem>>
      %dma_start3A_284 = tpu.memref_squeeze %dma_start3A_283 : memref<1x100xi32, #tpu.memory_space<vmem>> -> memref<100xi32, #tpu.memory_space<vmem>>
      %dma_start3A_285 = arith.constant 0 : i32
      %dma_start3A_286 = arith.constant 0 : i32
      %dma_start3A_287 = tpu.memref_slice %arg3[%dma_start3A_285, %dma_start3A_286] : memref<100000x128xf32, #tpu.memory_space<hbm>> -> memref<100000x128xf32, #tpu.memory_space<hbm>>
      tpu.enqueue_indirect_dma source(%dma_start3A_287 : memref<100000x128xf32, #tpu.memory_space<hbm>>) target(%dma_start3A_281 : memref<100x128xf32, #tpu.memory_space<vmem>>) offsets(%dma_start3A_284 : memref<100xi32, #tpu.memory_space<vmem>>) semaphore(%arg12 : memref<!tpu.dma_semaphore, #tpu.memory_space<semaphore_mem>>)
      %parallel_loop3A_288 = arith.constant 0 : i32
      %parallel_loop3A_289 = arith.constant 200 : i32
      %parallel_loop3A_290 = arith.constant 1 : i32
      scf.for %parallel_loop3A_318 = %parallel_loop3A_288 to %parallel_loop3A_289 step %parallel_loop3A_290  : i32 {
        %parallel_loop3A_319 = arith.index_cast %parallel_loop3A_318 : i32 to index
        %parallel_loop3A_320 = arith.constant 0 : index
        %parallel_loop3A_321 = tpu.vector_load %arg7[%parallel_loop3A_319, %parallel_loop3A_320] {strides = array<i32>} : memref<200x64xi32, #tpu.memory_space<vmem>>, vector<1x16xi32>,
        %parallel_loop3A_322 = vector.shape_cast %parallel_loop3A_321 : vector<1x16xi32> to vector<16xi32>
        %parallel_loop3A_323 = arith.constant 16 : i32
        %parallel_loop3A_324 = vector.broadcast %parallel_loop3A_323 : i32 to vector<16xi32>
        %parallel_loop3A_325 = arith.shli %parallel_loop3A_322, %parallel_loop3A_324 : vector<16xi32>
        %parallel_loop3A_326 = tpu.bitcast %parallel_loop3A_325 : vector<16xi32> -> vector<16xf32>
        %parallel_loop3A_327 = arith.constant -65536 : i32
        %parallel_loop3A_328 = vector.broadcast %parallel_loop3A_327 : i32 to vector<16xi32>
        %parallel_loop3A_329 = arith.andi %parallel_loop3A_322, %parallel_loop3A_328 : vector<16xi32>
        %parallel_loop3A_330 = tpu.bitcast %parallel_loop3A_329 : vector<16xi32> -> vector<16xf32>
        %parallel_loop3A_331 = arith.index_cast %parallel_loop3A_318 : i32 to index
        %parallel_loop3A_332 = arith.constant 0 : index
        %parallel_loop3A_333 = tpu.vector_load %arg8[%parallel_loop3A_331, %parallel_loop3A_332] {strides = array<i32>} : memref<200x128xf32, #tpu.memory_space<vmem>>, vector<1x16xf32>,
        %parallel_loop3A_334 = vector.shape_cast %parallel_loop3A_333 : vector<1x16xf32> to vector<16xf32>
        %parallel_loop3A_335 = arith.constant 11.3137083 : f32
        %parallel_loop3A_336 = vector.broadcast %parallel_loop3A_335 : f32 to vector<16xf32>
        %parallel_loop3A_337 = arith.mulf %parallel_loop3A_334, %parallel_loop3A_336 : vector<16xf32>
        %parallel_loop3A_338 = arith.addf %parallel_loop3A_337, %parallel_loop3A_326 : vector<16xf32>
        %parallel_loop3A_339 = arith.index_cast %parallel_loop3A_318 : i32 to index
        %parallel_loop3A_340 = arith.constant 0 : index
        %parallel_loop3A_341 = tpu.vector_load %arg8[%parallel_loop3A_339, %parallel_loop3A_340] {strides = array<i32>} : memref<200x128xf32, #tpu.memory_space<vmem>>, vector<1x16xf32>,
        %parallel_loop3A_342 = vector.shape_cast %parallel_loop3A_341 : vector<1x16xf32> to vector<16xf32>
        %parallel_loop3A_343 = vector.shape_cast %parallel_loop3A_338 : vector<16xf32> to vector<1x16xf32>
        tpu.vector_store %arg8[%parallel_loop3A_339, %parallel_loop3A_340], %parallel_loop3A_343 {strides = array<i32>} : memref<200x128xf32, #tpu.memory_space<vmem>>, vector<1x16xf32>,
        %parallel_loop3A_344 = arith.index_cast %parallel_loop3A_318 : i32 to index
        %parallel_loop3A_345 = arith.constant 16 : index
        %parallel_loop3A_346 = tpu.vector_load %arg8[%parallel_loop3A_344, %parallel_loop3A_345] {strides = array<i32>} : memref<200x128xf32, #tpu.memory_space<vmem>>, vector<1x16xf32>,
        %parallel_loop3A_347 = vector.shape_cast %parallel_loop3A_346 : vector<1x16xf32> to vector<16xf32>
        %parallel_loop3A_348 = arith.constant 11.3137083 : f32
        %parallel_loop3A_349 = vector.broadcast %parallel_loop3A_348 : f32 to vector<16xf32>
        %parallel_loop3A_350 = arith.mulf %parallel_loop3A_347, %parallel_loop3A_349 : vector<16xf32>
        %parallel_loop3A_351 = arith.addf %parallel_loop3A_350, %parallel_loop3A_330 : vector<16xf32>
        %parallel_loop3A_352 = arith.index_cast %parallel_loop3A_318 : i32 to index
        %parallel_loop3A_353 = arith.constant 16 : index
        %parallel_loop3A_354 = tpu.vector_load %arg8[%parallel_loop3A_352, %parallel_loop3A_353] {strides = array<i32>} : memref<200x128xf32, #tpu.memory_space<vmem>>, vector<1x16xf32>,
        %parallel_loop3A_355 = vector.shape_cast %parallel_loop3A_354 : vector<1x16xf32> to vector<16xf32>
        %parallel_loop3A_356 = vector.shape_cast %parallel_loop3A_351 : vector<16xf32> to vector<1x16xf32>
        tpu.vector_store %arg8[%parallel_loop3A_352, %parallel_loop3A_353], %parallel_loop3A_356 {strides = array<i32>} : memref<200x128xf32, #tpu.memory_space<vmem>>, vector<1x16xf32>,
        %parallel_loop3A_357 = arith.index_cast %parallel_loop3A_318 : i32 to index
        %parallel_loop3A_358 = arith.constant 16 : index
        %parallel_loop3A_359 = tpu.vector_load %arg7[%parallel_loop3A_357, %parallel_loop3A_358] {strides = array<i32>} : memref<200x64xi32, #tpu.memory_space<vmem>>, vector<1x16xi32>,
        %parallel_loop3A_360 = vector.shape_cast %parallel_loop3A_359 : vector<1x16xi32> to vector<16xi32>
        %parallel_loop3A_361 = arith.constant 16 : i32
        %parallel_loop3A_362 = vector.broadcast %parallel_loop3A_361 : i32 to vector<16xi32>
        %parallel_loop3A_363 = arith.shli %parallel_loop3A_360, %parallel_loop3A_362 : vector<16xi32>
        %parallel_loop3A_364 = tpu.bitcast %parallel_loop3A_363 : vector<16xi32> -> vector<16xf32>
        %parallel_loop3A_365 = arith.constant -65536 : i32
        %parallel_loop3A_366 = vector.broadcast %parallel_loop3A_365 : i32 to vector<16xi32>
        %parallel_loop3A_367 = arith.andi %parallel_loop3A_360, %parallel_loop3A_366 : vector<16xi32>
        %parallel_loop3A_368 = tpu.bitcast %parallel_loop3A_367 : vector<16xi32> -> vector<16xf32>
        %parallel_loop3A_369 = arith.index_cast %parallel_loop3A_318 : i32 to index
        %parallel_loop3A_370 = arith.constant 32 : index
        %parallel_loop3A_371 = tpu.vector_load %arg8[%parallel_loop3A_369, %parallel_loop3A_370] {strides = array<i32>} : memref<200x128xf32, #tpu.memory_space<vmem>>, vector<1x16xf32>,
        %parallel_loop3A_372 = vector.shape_cast %parallel_loop3A_371 : vector<1x16xf32> to vector<16xf32>
        %parallel_loop3A_373 = arith.constant 11.3137083 : f32
        %parallel_loop3A_374 = vector.broadcast %parallel_loop3A_373 : f32 to vector<16xf32>
        %parallel_loop3A_375 = arith.mulf %parallel_loop3A_372, %parallel_loop3A_374 : vector<16xf32>
        %parallel_loop3A_376 = arith.addf %parallel_loop3A_375, %parallel_loop3A_364 : vector<16xf32>
        %parallel_loop3A_377 = arith.index_cast %parallel_loop3A_318 : i32 to index
        %parallel_loop3A_378 = arith.constant 32 : index
        %parallel_loop3A_379 = tpu.vector_load %arg8[%parallel_loop3A_377, %parallel_loop3A_378] {strides = array<i32>} : memref<200x128xf32, #tpu.memory_space<vmem>>, vector<1x16xf32>,
        %parallel_loop3A_380 = vector.shape_cast %parallel_loop3A_379 : vector<1x16xf32> to vector<16xf32>
        %parallel_loop3A_381 = vector.shape_cast %parallel_loop3A_376 : vector<16xf32> to vector<1x16xf32>
        tpu.vector_store %arg8[%parallel_loop3A_377, %parallel_loop3A_378], %parallel_loop3A_381 {strides = array<i32>} : memref<200x128xf32, #tpu.memory_space<vmem>>, vector<1x16xf32>,
        %parallel_loop3A_382 = arith.index_cast %parallel_loop3A_318 : i32 to index
        %parallel_loop3A_383 = arith.constant 48 : index
        %parallel_loop3A_384 = tpu.vector_load %arg8[%parallel_loop3A_382, %parallel_loop3A_383] {strides = array<i32>} : memref<200x128xf32, #tpu.memory_space<vmem>>, vector<1x16xf32>,
        %parallel_loop3A_385 = vector.shape_cast %parallel_loop3A_384 : vector<1x16xf32> to vector<16xf32>
        %parallel_loop3A_386 = arith.constant 11.3137083 : f32
        %parallel_loop3A_387 = vector.broadcast %parallel_loop3A_386 : f32 to vector<16xf32>
        %parallel_loop3A_388 = arith.mulf %parallel_loop3A_385, %parallel_loop3A_387 : vector<16xf32>
        %parallel_loop3A_389 = arith.addf %parallel_loop3A_388, %parallel_loop3A_368 : vector<16xf32>
        %parallel_loop3A_390 = arith.index_cast %parallel_loop3A_318 : i32 to index
        %parallel_loop3A_391 = arith.constant 48 : index
        %parallel_loop3A_392 = tpu.vector_load %arg8[%parallel_loop3A_390, %parallel_loop3A_391] {strides = array<i32>} : memref<200x128xf32, #tpu.memory_space<vmem>>, vector<1x16xf32>,
        %parallel_loop3A_393 = vector.shape_cast %parallel_loop3A_392 : vector<1x16xf32> to vector<16xf32>
        %parallel_loop3A_394 = vector.shape_cast %parallel_loop3A_389 : vector<16xf32> to vector<1x16xf32>
        tpu.vector_store %arg8[%parallel_loop3A_390, %parallel_loop3A_391], %parallel_loop3A_394 {strides = array<i32>} : memref<200x128xf32, #tpu.memory_space<vmem>>, vector<1x16xf32>,
        %parallel_loop3A_395 = arith.index_cast %parallel_loop3A_318 : i32 to index
        %parallel_loop3A_396 = arith.constant 32 : index
        %parallel_loop3A_397 = tpu.vector_load %arg7[%parallel_loop3A_395, %parallel_loop3A_396] {strides = array<i32>} : memref<200x64xi32, #tpu.memory_space<vmem>>, vector<1x16xi32>,
        %parallel_loop3A_398 = vector.shape_cast %parallel_loop3A_397 : vector<1x16xi32> to vector<16xi32>
        %parallel_loop3A_399 = arith.constant 16 : i32
        %parallel_loop3A_400 = vector.broadcast %parallel_loop3A_399 : i32 to vector<16xi32>
        %parallel_loop3A_401 = arith.shli %parallel_loop3A_398, %parallel_loop3A_400 : vector<16xi32>
        %parallel_loop3A_402 = tpu.bitcast %parallel_loop3A_401 : vector<16xi32> -> vector<16xf32>
        %parallel_loop3A_403 = arith.constant -65536 : i32
        %parallel_loop3A_404 = vector.broadcast %parallel_loop3A_403 : i32 to vector<16xi32>
        %parallel_loop3A_405 = arith.andi %parallel_loop3A_398, %parallel_loop3A_404 : vector<16xi32>
        %parallel_loop3A_406 = tpu.bitcast %parallel_loop3A_405 : vector<16xi32> -> vector<16xf32>
        %parallel_loop3A_407 = arith.index_cast %parallel_loop3A_318 : i32 to index
        %parallel_loop3A_408 = arith.constant 64 : index
        %parallel_loop3A_409 = tpu.vector_load %arg8[%parallel_loop3A_407, %parallel_loop3A_408] {strides = array<i32>} : memref<200x128xf32, #tpu.memory_space<vmem>>, vector<1x16xf32>,
        %parallel_loop3A_410 = vector.shape_cast %parallel_loop3A_409 : vector<1x16xf32> to vector<16xf32>
        %parallel_loop3A_411 = arith.constant 11.3137083 : f32
        %parallel_loop3A_412 = vector.broadcast %parallel_loop3A_411 : f32 to vector<16xf32>
        %parallel_loop3A_413 = arith.mulf %parallel_loop3A_410, %parallel_loop3A_412 : vector<16xf32>
        %parallel_loop3A_414 = arith.addf %parallel_loop3A_413, %parallel_loop3A_402 : vector<16xf32>
        %parallel_loop3A_415 = arith.index_cast %parallel_loop3A_318 : i32 to index
        %parallel_loop3A_416 = arith.constant 64 : index
        %parallel_loop3A_417 = tpu.vector_load %arg8[%parallel_loop3A_415, %parallel_loop3A_416] {strides = array<i32>} : memref<200x128xf32, #tpu.memory_space<vmem>>, vector<1x16xf32>,
        %parallel_loop3A_418 = vector.shape_cast %parallel_loop3A_417 : vector<1x16xf32> to vector<16xf32>
        %parallel_loop3A_419 = vector.shape_cast %parallel_loop3A_414 : vector<16xf32> to vector<1x16xf32>
        tpu.vector_store %arg8[%parallel_loop3A_415, %parallel_loop3A_416], %parallel_loop3A_419 {strides = array<i32>} : memref<200x128xf32, #tpu.memory_space<vmem>>, vector<1x16xf32>,
        %parallel_loop3A_420 = arith.index_cast %parallel_loop3A_318 : i32 to index
        %parallel_loop3A_421 = arith.constant 80 : index
        %parallel_loop3A_422 = tpu.vector_load %arg8[%parallel_loop3A_420, %parallel_loop3A_421] {strides = array<i32>} : memref<200x128xf32, #tpu.memory_space<vmem>>, vector<1x16xf32>,
        %parallel_loop3A_423 = vector.shape_cast %parallel_loop3A_422 : vector<1x16xf32> to vector<16xf32>
        %parallel_loop3A_424 = arith.constant 11.3137083 : f32
        %parallel_loop3A_425 = vector.broadcast %parallel_loop3A_424 : f32 to vector<16xf32>
        %parallel_loop3A_426 = arith.mulf %parallel_loop3A_423, %parallel_loop3A_425 : vector<16xf32>
        %parallel_loop3A_427 = arith.addf %parallel_loop3A_426, %parallel_loop3A_406 : vector<16xf32>
        %parallel_loop3A_428 = arith.index_cast %parallel_loop3A_318 : i32 to index
        %parallel_loop3A_429 = arith.constant 80 : index
        %parallel_loop3A_430 = tpu.vector_load %arg8[%parallel_loop3A_428, %parallel_loop3A_429] {strides = array<i32>} : memref<200x128xf32, #tpu.memory_space<vmem>>, vector<1x16xf32>,
        %parallel_loop3A_431 = vector.shape_cast %parallel_loop3A_430 : vector<1x16xf32> to vector<16xf32>
        %parallel_loop3A_432 = vector.shape_cast %parallel_loop3A_427 : vector<16xf32> to vector<1x16xf32>
        tpu.vector_store %arg8[%parallel_loop3A_428, %parallel_loop3A_429], %parallel_loop3A_432 {strides = array<i32>} : memref<200x128xf32, #tpu.memory_space<vmem>>, vector<1x16xf32>,
        %parallel_loop3A_433 = arith.index_cast %parallel_loop3A_318 : i32 to index
        %parallel_loop3A_434 = arith.constant 48 : index
        %parallel_loop3A_435 = tpu.vector_load %arg7[%parallel_loop3A_433, %parallel_loop3A_434] {strides = array<i32>} : memref<200x64xi32, #tpu.memory_space<vmem>>, vector<1x16xi32>,
        %parallel_loop3A_436 = vector.shape_cast %parallel_loop3A_435 : vector<1x16xi32> to vector<16xi32>
        %parallel_loop3A_437 = arith.constant 16 : i32
        %parallel_loop3A_438 = vector.broadcast %parallel_loop3A_437 : i32 to vector<16xi32>
        %parallel_loop3A_439 = arith.shli %parallel_loop3A_436, %parallel_loop3A_438 : vector<16xi32>
        %parallel_loop3A_440 = tpu.bitcast %parallel_loop3A_439 : vector<16xi32> -> vector<16xf32>
        %parallel_loop3A_441 = arith.constant -65536 : i32
        %parallel_loop3A_442 = vector.broadcast %parallel_loop3A_441 : i32 to vector<16xi32>
        %parallel_loop3A_443 = arith.andi %parallel_loop3A_436, %parallel_loop3A_442 : vector<16xi32>
        %parallel_loop3A_444 = tpu.bitcast %parallel_loop3A_443 : vector<16xi32> -> vector<16xf32>
        %parallel_loop3A_445 = arith.index_cast %parallel_loop3A_318 : i32 to index
        %parallel_loop3A_446 = arith.constant 96 : index
        %parallel_loop3A_447 = tpu.vector_load %arg8[%parallel_loop3A_445, %parallel_loop3A_446] {strides = array<i32>} : memref<200x128xf32, #tpu.memory_space<vmem>>, vector<1x16xf32>,
        %parallel_loop3A_448 = vector.shape_cast %parallel_loop3A_447 : vector<1x16xf32> to vector<16xf32>
        %parallel_loop3A_449 = arith.constant 11.3137083 : f32
        %parallel_loop3A_450 = vector.broadcast %parallel_loop3A_449 : f32 to vector<16xf32>
        %parallel_loop3A_451 = arith.mulf %parallel_loop3A_448, %parallel_loop3A_450 : vector<16xf32>
        %parallel_loop3A_452 = arith.addf %parallel_loop3A_451, %parallel_loop3A_440 : vector<16xf32>
        %parallel_loop3A_453 = arith.index_cast %parallel_loop3A_318 : i32 to index
        %parallel_loop3A_454 = arith.constant 96 : index
        %parallel_loop3A_455 = tpu.vector_load %arg8[%parallel_loop3A_453, %parallel_loop3A_454] {strides = array<i32>} : memref<200x128xf32, #tpu.memory_space<vmem>>, vector<1x16xf32>,
        %parallel_loop3A_456 = vector.shape_cast %parallel_loop3A_455 : vector<1x16xf32> to vector<16xf32>
        %parallel_loop3A_457 = vector.shape_cast %parallel_loop3A_452 : vector<16xf32> to vector<1x16xf32>
        tpu.vector_store %arg8[%parallel_loop3A_453, %parallel_loop3A_454], %parallel_loop3A_457 {strides = array<i32>} : memref<200x128xf32, #tpu.memory_space<vmem>>, vector<1x16xf32>,
        %parallel_loop3A_458 = arith.index_cast %parallel_loop3A_318 : i32 to index
        %parallel_loop3A_459 = arith.constant 112 : index
        %parallel_loop3A_460 = tpu.vector_load %arg8[%parallel_loop3A_458, %parallel_loop3A_459] {strides = array<i32>} : memref<200x128xf32, #tpu.memory_space<vmem>>, vector<1x16xf32>,
        %parallel_loop3A_461 = vector.shape_cast %parallel_loop3A_460 : vector<1x16xf32> to vector<16xf32>
        %parallel_loop3A_462 = arith.constant 11.3137083 : f32
        %parallel_loop3A_463 = vector.broadcast %parallel_loop3A_462 : f32 to vector<16xf32>
        %parallel_loop3A_464 = arith.mulf %parallel_loop3A_461, %parallel_loop3A_463 : vector<16xf32>
        %parallel_loop3A_465 = arith.addf %parallel_loop3A_464, %parallel_loop3A_444 : vector<16xf32>
        %parallel_loop3A_466 = arith.index_cast %parallel_loop3A_318 : i32 to index
        %parallel_loop3A_467 = arith.constant 112 : index
        %parallel_loop3A_468 = tpu.vector_load %arg8[%parallel_loop3A_466, %parallel_loop3A_467] {strides = array<i32>} : memref<200x128xf32, #tpu.memory_space<vmem>>, vector<1x16xf32>,
        %parallel_loop3A_469 = vector.shape_cast %parallel_loop3A_468 : vector<1x16xf32> to vector<16xf32>
        %parallel_loop3A_470 = vector.shape_cast %parallel_loop3A_465 : vector<16xf32> to vector<1x16xf32>
        tpu.vector_store %arg8[%parallel_loop3A_466, %parallel_loop3A_467], %parallel_loop3A_470 {strides = array<i32>} : memref<200x128xf32, #tpu.memory_space<vmem>>, vector<1x16xf32>,
      } {sc.loop_unroll_factor = 1 : i64, sc.parallel_access}
      %mul3A_291 = arith.constant 200 : i32
      %mul3A_292 = arith.muli %add3A_255, %mul3A_291 : i32
      %add3A_293 = arith.addi %mul3A_2, %mul3A_292 : i32
      %dma_start3A_294 = arith.constant 0 : i32
      %dma_start3A_295 = tpu.memref_slice %arg5[%add3A_293, %dma_start3A_294] : memref<204800x128xf32, #tpu.memory_space<hbm>> -> memref<200x128xf32, #tpu.memory_space<hbm>>
      %dma_start3A_296 = arith.constant 0 : i32
      %dma_start3A_297 = tpu.memref_slice %arg5[%add3A_293, %dma_start3A_296] : memref<204800x128xf32, #tpu.memory_space<hbm>> -> memref<200x128xf32, #tpu.memory_space<hbm>>
      tpu.enqueue_dma source(%arg8 : memref<200x128xf32, #tpu.memory_space<vmem>>) target(%dma_start3A_297 : memref<200x128xf32, #tpu.memory_space<hbm>>) target_semaphore(%arg14 : memref<!tpu.dma_semaphore, #tpu.memory_space<semaphore_mem>>)
      %dma_wait3A_298 = arith.constant 0 : i32
      %dma_wait3A_299 = arith.constant 0 : i32
      %dma_wait3A_300 = arith.constant 0 : i32
      %dma_wait3A_301 = tpu.memref_slice %arg9[%dma_wait3A_299, %dma_wait3A_300] : memref<200x128xf32, #tpu.memory_space<vmem>> -> memref<100x128xf32, #tpu.memory_space<vmem>>
      %dma_wait3A_302 = arith.constant 0 : i32
      %dma_wait3A_303 = tpu.memref_slice %arg6[%dma_wait3A_298, %dma_wait3A_302] : memref<64x100xi32, #tpu.memory_space<vmem>> -> memref<1x100xi32, #tpu.memory_space<vmem>>
      %dma_wait3A_304 = tpu.memref_squeeze %dma_wait3A_303 : memref<1x100xi32, #tpu.memory_space<vmem>> -> memref<100xi32, #tpu.memory_space<vmem>>
      %dma_wait3A_305 = arith.constant 0 : i32
      %dma_wait3A_306 = arith.constant 0 : i32
      %dma_wait3A_307 = tpu.memref_slice %arg3[%dma_wait3A_305, %dma_wait3A_306] : memref<100000x128xf32, #tpu.memory_space<hbm>> -> memref<100000x128xf32, #tpu.memory_space<hbm>>
      tpu.wait_indirect_dma semaphore(%arg12 : memref<!tpu.dma_semaphore, #tpu.memory_space<semaphore_mem>>) src(%dma_wait3A_307 : memref<100000x128xf32, #tpu.memory_space<hbm>>) dst(%dma_wait3A_301 : memref<100x128xf32, #tpu.memory_space<vmem>>)
      %dma_wait3A_308 = arith.constant 0 : i32
      %dma_wait3A_309 = arith.constant 0 : i32
      %dma_wait3A_310 = arith.constant 0 : i32
      %dma_wait3A_311 = tpu.memref_slice %arg9[%dma_wait3A_309, %dma_wait3A_310] : memref<200x128xf32, #tpu.memory_space<vmem>> -> memref<100x128xf32, #tpu.memory_space<vmem>>
      %dma_wait3A_312 = arith.constant 0 : i32
      %dma_wait3A_313 = tpu.memref_slice %arg6[%dma_wait3A_308, %dma_wait3A_312] : memref<64x100xi32, #tpu.memory_space<vmem>> -> memref<1x100xi32, #tpu.memory_space<vmem>>
      %dma_wait3A_314 = tpu.memref_squeeze %dma_wait3A_313 : memref<1x100xi32, #tpu.memory_space<vmem>> -> memref<100xi32, #tpu.memory_space<vmem>>
      %dma_wait3A_315 = arith.constant 0 : i32
      %dma_wait3A_316 = arith.constant 0 : i32
      %dma_wait3A_317 = tpu.memref_slice %arg3[%dma_wait3A_315, %dma_wait3A_316] : memref<100000x128xf32, #tpu.memory_space<hbm>> -> memref<100000x128xf32, #tpu.memory_space<hbm>>
      tpu.wait_indirect_dma semaphore(%arg12 : memref<!tpu.dma_semaphore, #tpu.memory_space<semaphore_mem>>) src(%dma_wait3A_317 : memref<100000x128xf32, #tpu.memory_space<hbm>>) dst(%dma_wait3A_311 : memref<100x128xf32, #tpu.memory_space<vmem>>)
    }
    %scan3A_95 = arith.constant 10 : i32
    %dma_wait3A_96 = arith.constant 0 : i32
    %dma_wait3A_97 = tpu.memref_slice %arg5[%mul3A_2, %dma_wait3A_96] : memref<204800x128xf32, #tpu.memory_space<hbm>> -> memref<200x128xf32, #tpu.memory_space<hbm>>
    %dma_wait3A_98 = arith.constant 0 : i32
    %dma_wait3A_99 = tpu.memref_slice %arg5[%mul3A_2, %dma_wait3A_98] : memref<204800x128xf32, #tpu.memory_space<hbm>> -> memref<200x128xf32, #tpu.memory_space<hbm>>
    tpu.wait_dma2 semaphore(%arg14 : memref<!tpu.dma_semaphore, #tpu.memory_space<semaphore_mem>>) src(%arg8 : memref<200x128xf32, #tpu.memory_space<vmem>>) dst(%dma_wait3A_99 : memref<200x128xf32, #tpu.memory_space<hbm>>)
    %parallel_loop3A_100 = arith.constant 0 : i32
    %parallel_loop3A_101 = arith.constant 200 : i32
    %parallel_loop3A_102 = arith.constant 1 : i32
    scf.for %parallel_loop3A_113 = %parallel_loop3A_100 to %parallel_loop3A_101 step %parallel_loop3A_102  : i32 {
      %parallel_loop3A_114 = arith.index_cast %parallel_loop3A_113 : i32 to index
      %parallel_loop3A_115 = arith.constant 0 : index
      %parallel_loop3A_116 = tpu.vector_load %arg7[%parallel_loop3A_114, %parallel_loop3A_115] {strides = array<i32>} : memref<200x64xi32, #tpu.memory_space<vmem>>, vector<1x16xi32>,
      %parallel_loop3A_117 = vector.shape_cast %parallel_loop3A_116 : vector<1x16xi32> to vector<16xi32>
      %parallel_loop3A_118 = arith.constant 16 : i32
      %parallel_loop3A_119 = vector.broadcast %parallel_loop3A_118 : i32 to vector<16xi32>
      %parallel_loop3A_120 = arith.shli %parallel_loop3A_117, %parallel_loop3A_119 : vector<16xi32>
      %parallel_loop3A_121 = tpu.bitcast %parallel_loop3A_120 : vector<16xi32> -> vector<16xf32>
      %parallel_loop3A_122 = arith.constant -65536 : i32
      %parallel_loop3A_123 = vector.broadcast %parallel_loop3A_122 : i32 to vector<16xi32>
      %parallel_loop3A_124 = arith.andi %parallel_loop3A_117, %parallel_loop3A_123 : vector<16xi32>
      %parallel_loop3A_125 = tpu.bitcast %parallel_loop3A_124 : vector<16xi32> -> vector<16xf32>
      %parallel_loop3A_126 = arith.index_cast %parallel_loop3A_113 : i32 to index
      %parallel_loop3A_127 = arith.constant 0 : index
      %parallel_loop3A_128 = tpu.vector_load %arg9[%parallel_loop3A_126, %parallel_loop3A_127] {strides = array<i32>} : memref<200x128xf32, #tpu.memory_space<vmem>>, vector<1x16xf32>,
      %parallel_loop3A_129 = vector.shape_cast %parallel_loop3A_128 : vector<1x16xf32> to vector<16xf32>
      %parallel_loop3A_130 = arith.constant 11.3137083 : f32
      %parallel_loop3A_131 = vector.broadcast %parallel_loop3A_130 : f32 to vector<16xf32>
      %parallel_loop3A_132 = arith.mulf %parallel_loop3A_129, %parallel_loop3A_131 : vector<16xf32>
      %parallel_loop3A_133 = arith.addf %parallel_loop3A_132, %parallel_loop3A_121 : vector<16xf32>
      %parallel_loop3A_134 = arith.index_cast %parallel_loop3A_113 : i32 to index
      %parallel_loop3A_135 = arith.constant 0 : index
      %parallel_loop3A_136 = tpu.vector_load %arg9[%parallel_loop3A_134, %parallel_loop3A_135] {strides = array<i32>} : memref<200x128xf32, #tpu.memory_space<vmem>>, vector<1x16xf32>,
      %parallel_loop3A_137 = vector.shape_cast %parallel_loop3A_136 : vector<1x16xf32> to vector<16xf32>
      %parallel_loop3A_138 = vector.shape_cast %parallel_loop3A_133 : vector<16xf32> to vector<1x16xf32>
      tpu.vector_store %arg9[%parallel_loop3A_134, %parallel_loop3A_135], %parallel_loop3A_138 {strides = array<i32>} : memref<200x128xf32, #tpu.memory_space<vmem>>, vector<1x16xf32>,
      %parallel_loop3A_139 = arith.index_cast %parallel_loop3A_113 : i32 to index
      %parallel_loop3A_140 = arith.constant 16 : index
      %parallel_loop3A_141 = tpu.vector_load %arg9[%parallel_loop3A_139, %parallel_loop3A_140] {strides = array<i32>} : memref<200x128xf32, #tpu.memory_space<vmem>>, vector<1x16xf32>,
      %parallel_loop3A_142 = vector.shape_cast %parallel_loop3A_141 : vector<1x16xf32> to vector<16xf32>
      %parallel_loop3A_143 = arith.constant 11.3137083 : f32
      %parallel_loop3A_144 = vector.broadcast %parallel_loop3A_143 : f32 to vector<16xf32>
      %parallel_loop3A_145 = arith.mulf %parallel_loop3A_142, %parallel_loop3A_144 : vector<16xf32>
      %parallel_loop3A_146 = arith.addf %parallel_loop3A_145, %parallel_loop3A_125 : vector<16xf32>
      %parallel_loop3A_147 = arith.index_cast %parallel_loop3A_113 : i32 to index
      %parallel_loop3A_148 = arith.constant 16 : index
      %parallel_loop3A_149 = tpu.vector_load %arg9[%parallel_loop3A_147, %parallel_loop3A_148] {strides = array<i32>} : memref<200x128xf32, #tpu.memory_space<vmem>>, vector<1x16xf32>,
      %parallel_loop3A_150 = vector.shape_cast %parallel_loop3A_149 : vector<1x16xf32> to vector<16xf32>
      %parallel_loop3A_151 = vector.shape_cast %parallel_loop3A_146 : vector<16xf32> to vector<1x16xf32>
      tpu.vector_store %arg9[%parallel_loop3A_147, %parallel_loop3A_148], %parallel_loop3A_151 {strides = array<i32>} : memref<200x128xf32, #tpu.memory_space<vmem>>, vector<1x16xf32>,
      %parallel_loop3A_152 = arith.index_cast %parallel_loop3A_113 : i32 to index
      %parallel_loop3A_153 = arith.constant 16 : index
      %parallel_loop3A_154 = tpu.vector_load %arg7[%parallel_loop3A_152, %parallel_loop3A_153] {strides = array<i32>} : memref<200x64xi32, #tpu.memory_space<vmem>>, vector<1x16xi32>,
      %parallel_loop3A_155 = vector.shape_cast %parallel_loop3A_154 : vector<1x16xi32> to vector<16xi32>
      %parallel_loop3A_156 = arith.constant 16 : i32
      %parallel_loop3A_157 = vector.broadcast %parallel_loop3A_156 : i32 to vector<16xi32>
      %parallel_loop3A_158 = arith.shli %parallel_loop3A_155, %parallel_loop3A_157 : vector<16xi32>
      %parallel_loop3A_159 = tpu.bitcast %parallel_loop3A_158 : vector<16xi32> -> vector<16xf32>
      %parallel_loop3A_160 = arith.constant -65536 : i32
      %parallel_loop3A_161 = vector.broadcast %parallel_loop3A_160 : i32 to vector<16xi32>
      %parallel_loop3A_162 = arith.andi %parallel_loop3A_155, %parallel_loop3A_161 : vector<16xi32>
      %parallel_loop3A_163 = tpu.bitcast %parallel_loop3A_162 : vector<16xi32> -> vector<16xf32>
      %parallel_loop3A_164 = arith.index_cast %parallel_loop3A_113 : i32 to index
      %parallel_loop3A_165 = arith.constant 32 : index
      %parallel_loop3A_166 = tpu.vector_load %arg9[%parallel_loop3A_164, %parallel_loop3A_165] {strides = array<i32>} : memref<200x128xf32, #tpu.memory_space<vmem>>, vector<1x16xf32>,
      %parallel_loop3A_167 = vector.shape_cast %parallel_loop3A_166 : vector<1x16xf32> to vector<16xf32>
      %parallel_loop3A_168 = arith.constant 11.3137083 : f32
      %parallel_loop3A_169 = vector.broadcast %parallel_loop3A_168 : f32 to vector<16xf32>
      %parallel_loop3A_170 = arith.mulf %parallel_loop3A_167, %parallel_loop3A_169 : vector<16xf32>
      %parallel_loop3A_171 = arith.addf %parallel_loop3A_170, %parallel_loop3A_159 : vector<16xf32>
      %parallel_loop3A_172 = arith.index_cast %parallel_loop3A_113 : i32 to index
      %parallel_loop3A_173 = arith.constant 32 : index
      %parallel_loop3A_174 = tpu.vector_load %arg9[%parallel_loop3A_172, %parallel_loop3A_173] {strides = array<i32>} : memref<200x128xf32, #tpu.memory_space<vmem>>, vector<1x16xf32>,
      %parallel_loop3A_175 = vector.shape_cast %parallel_loop3A_174 : vector<1x16xf32> to vector<16xf32>
      %parallel_loop3A_176 = vector.shape_cast %parallel_loop3A_171 : vector<16xf32> to vector<1x16xf32>
      tpu.vector_store %arg9[%parallel_loop3A_172, %parallel_loop3A_173], %parallel_loop3A_176 {strides = array<i32>} : memref<200x128xf32, #tpu.memory_space<vmem>>, vector<1x16xf32>,
      %parallel_loop3A_177 = arith.index_cast %parallel_loop3A_113 : i32 to index
      %parallel_loop3A_178 = arith.constant 48 : index
      %parallel_loop3A_179 = tpu.vector_load %arg9[%parallel_loop3A_177, %parallel_loop3A_178] {strides = array<i32>} : memref<200x128xf32, #tpu.memory_space<vmem>>, vector<1x16xf32>,
      %parallel_loop3A_180 = vector.shape_cast %parallel_loop3A_179 : vector<1x16xf32> to vector<16xf32>
      %parallel_loop3A_181 = arith.constant 11.3137083 : f32
      %parallel_loop3A_182 = vector.broadcast %parallel_loop3A_181 : f32 to vector<16xf32>
      %parallel_loop3A_183 = arith.mulf %parallel_loop3A_180, %parallel_loop3A_182 : vector<16xf32>
      %parallel_loop3A_184 = arith.addf %parallel_loop3A_183, %parallel_loop3A_163 : vector<16xf32>
      %parallel_loop3A_185 = arith.index_cast %parallel_loop3A_113 : i32 to index
      %parallel_loop3A_186 = arith.constant 48 : index
      %parallel_loop3A_187 = tpu.vector_load %arg9[%parallel_loop3A_185, %parallel_loop3A_186] {strides = array<i32>} : memref<200x128xf32, #tpu.memory_space<vmem>>, vector<1x16xf32>,
      %parallel_loop3A_188 = vector.shape_cast %parallel_loop3A_187 : vector<1x16xf32> to vector<16xf32>
      %parallel_loop3A_189 = vector.shape_cast %parallel_loop3A_184 : vector<16xf32> to vector<1x16xf32>
      tpu.vector_store %arg9[%parallel_loop3A_185, %parallel_loop3A_186], %parallel_loop3A_189 {strides = array<i32>} : memref<200x128xf32, #tpu.memory_space<vmem>>, vector<1x16xf32>,
      %parallel_loop3A_190 = arith.index_cast %parallel_loop3A_113 : i32 to index
      %parallel_loop3A_191 = arith.constant 32 : index
      %parallel_loop3A_192 = tpu.vector_load %arg7[%parallel_loop3A_190, %parallel_loop3A_191] {strides = array<i32>} : memref<200x64xi32, #tpu.memory_space<vmem>>, vector<1x16xi32>,
      %parallel_loop3A_193 = vector.shape_cast %parallel_loop3A_192 : vector<1x16xi32> to vector<16xi32>
      %parallel_loop3A_194 = arith.constant 16 : i32
      %parallel_loop3A_195 = vector.broadcast %parallel_loop3A_194 : i32 to vector<16xi32>
      %parallel_loop3A_196 = arith.shli %parallel_loop3A_193, %parallel_loop3A_195 : vector<16xi32>
      %parallel_loop3A_197 = tpu.bitcast %parallel_loop3A_196 : vector<16xi32> -> vector<16xf32>
      %parallel_loop3A_198 = arith.constant -65536 : i32
      %parallel_loop3A_199 = vector.broadcast %parallel_loop3A_198 : i32 to vector<16xi32>
      %parallel_loop3A_200 = arith.andi %parallel_loop3A_193, %parallel_loop3A_199 : vector<16xi32>
      %parallel_loop3A_201 = tpu.bitcast %parallel_loop3A_200 : vector<16xi32> -> vector<16xf32>
      %parallel_loop3A_202 = arith.index_cast %parallel_loop3A_113 : i32 to index
      %parallel_loop3A_203 = arith.constant 64 : index
      %parallel_loop3A_204 = tpu.vector_load %arg9[%parallel_loop3A_202, %parallel_loop3A_203] {strides = array<i32>} : memref<200x128xf32, #tpu.memory_space<vmem>>, vector<1x16xf32>,
      %parallel_loop3A_205 = vector.shape_cast %parallel_loop3A_204 : vector<1x16xf32> to vector<16xf32>
      %parallel_loop3A_206 = arith.constant 11.3137083 : f32
      %parallel_loop3A_207 = vector.broadcast %parallel_loop3A_206 : f32 to vector<16xf32>
      %parallel_loop3A_208 = arith.mulf %parallel_loop3A_205, %parallel_loop3A_207 : vector<16xf32>
      %parallel_loop3A_209 = arith.addf %parallel_loop3A_208, %parallel_loop3A_197 : vector<16xf32>
      %parallel_loop3A_210 = arith.index_cast %parallel_loop3A_113 : i32 to index
      %parallel_loop3A_211 = arith.constant 64 : index
      %parallel_loop3A_212 = tpu.vector_load %arg9[%parallel_loop3A_210, %parallel_loop3A_211] {strides = array<i32>} : memref<200x128xf32, #tpu.memory_space<vmem>>, vector<1x16xf32>,
      %parallel_loop3A_213 = vector.shape_cast %parallel_loop3A_212 : vector<1x16xf32> to vector<16xf32>
      %parallel_loop3A_214 = vector.shape_cast %parallel_loop3A_209 : vector<16xf32> to vector<1x16xf32>
      tpu.vector_store %arg9[%parallel_loop3A_210, %parallel_loop3A_211], %parallel_loop3A_214 {strides = array<i32>} : memref<200x128xf32, #tpu.memory_space<vmem>>, vector<1x16xf32>,
      %parallel_loop3A_215 = arith.index_cast %parallel_loop3A_113 : i32 to index
      %parallel_loop3A_216 = arith.constant 80 : index
      %parallel_loop3A_217 = tpu.vector_load %arg9[%parallel_loop3A_215, %parallel_loop3A_216] {strides = array<i32>} : memref<200x128xf32, #tpu.memory_space<vmem>>, vector<1x16xf32>,
      %parallel_loop3A_218 = vector.shape_cast %parallel_loop3A_217 : vector<1x16xf32> to vector<16xf32>
      %parallel_loop3A_219 = arith.constant 11.3137083 : f32
      %parallel_loop3A_220 = vector.broadcast %parallel_loop3A_219 : f32 to vector<16xf32>
      %parallel_loop3A_221 = arith.mulf %parallel_loop3A_218, %parallel_loop3A_220 : vector<16xf32>
      %parallel_loop3A_222 = arith.addf %parallel_loop3A_221, %parallel_loop3A_201 : vector<16xf32>
      %parallel_loop3A_223 = arith.index_cast %parallel_loop3A_113 : i32 to index
      %parallel_loop3A_224 = arith.constant 80 : index
      %parallel_loop3A_225 = tpu.vector_load %arg9[%parallel_loop3A_223, %parallel_loop3A_224] {strides = array<i32>} : memref<200x128xf32, #tpu.memory_space<vmem>>, vector<1x16xf32>,
      %parallel_loop3A_226 = vector.shape_cast %parallel_loop3A_225 : vector<1x16xf32> to vector<16xf32>
      %parallel_loop3A_227 = vector.shape_cast %parallel_loop3A_222 : vector<16xf32> to vector<1x16xf32>
      tpu.vector_store %arg9[%parallel_loop3A_223, %parallel_loop3A_224], %parallel_loop3A_227 {strides = array<i32>} : memref<200x128xf32, #tpu.memory_space<vmem>>, vector<1x16xf32>,
      %parallel_loop3A_228 = arith.index_cast %parallel_loop3A_113 : i32 to index
      %parallel_loop3A_229 = arith.constant 48 : index
      %parallel_loop3A_230 = tpu.vector_load %arg7[%parallel_loop3A_228, %parallel_loop3A_229] {strides = array<i32>} : memref<200x64xi32, #tpu.memory_space<vmem>>, vector<1x16xi32>,
      %parallel_loop3A_231 = vector.shape_cast %parallel_loop3A_230 : vector<1x16xi32> to vector<16xi32>
      %parallel_loop3A_232 = arith.constant 16 : i32
      %parallel_loop3A_233 = vector.broadcast %parallel_loop3A_232 : i32 to vector<16xi32>
      %parallel_loop3A_234 = arith.shli %parallel_loop3A_231, %parallel_loop3A_233 : vector<16xi32>
      %parallel_loop3A_235 = tpu.bitcast %parallel_loop3A_234 : vector<16xi32> -> vector<16xf32>
      %parallel_loop3A_236 = arith.constant -65536 : i32
      %parallel_loop3A_237 = vector.broadcast %parallel_loop3A_236 : i32 to vector<16xi32>
      %parallel_loop3A_238 = arith.andi %parallel_loop3A_231, %parallel_loop3A_237 : vector<16xi32>
      %parallel_loop3A_239 = tpu.bitcast %parallel_loop3A_238 : vector<16xi32> -> vector<16xf32>
      %parallel_loop3A_240 = arith.index_cast %parallel_loop3A_113 : i32 to index
      %parallel_loop3A_241 = arith.constant 96 : index
      %parallel_loop3A_242 = tpu.vector_load %arg9[%parallel_loop3A_240, %parallel_loop3A_241] {strides = array<i32>} : memref<200x128xf32, #tpu.memory_space<vmem>>, vector<1x16xf32>,
      %parallel_loop3A_243 = vector.shape_cast %parallel_loop3A_242 : vector<1x16xf32> to vector<16xf32>
      %parallel_loop3A_244 = arith.constant 11.3137083 : f32
      %parallel_loop3A_245 = vector.broadcast %parallel_loop3A_244 : f32 to vector<16xf32>
      %parallel_loop3A_246 = arith.mulf %parallel_loop3A_243, %parallel_loop3A_245 : vector<16xf32>
      %parallel_loop3A_247 = arith.addf %parallel_loop3A_246, %parallel_loop3A_235 : vector<16xf32>
      %parallel_loop3A_248 = arith.index_cast %parallel_loop3A_113 : i32 to index
      %parallel_loop3A_249 = arith.constant 96 : index
      %parallel_loop3A_250 = tpu.vector_load %arg9[%parallel_loop3A_248, %parallel_loop3A_249] {strides = array<i32>} : memref<200x128xf32, #tpu.memory_space<vmem>>, vector<1x16xf32>,
      %parallel_loop3A_251 = vector.shape_cast %parallel_loop3A_250 : vector<1x16xf32> to vector<16xf32>
      %parallel_loop3A_252 = vector.shape_cast %parallel_loop3A_247 : vector<16xf32> to vector<1x16xf32>
      tpu.vector_store %arg9[%parallel_loop3A_248, %parallel_loop3A_249], %parallel_loop3A_252 {strides = array<i32>} : memref<200x128xf32, #tpu.memory_space<vmem>>, vector<1x16xf32>,
      %parallel_loop3A_253 = arith.index_cast %parallel_loop3A_113 : i32 to index
      %parallel_loop3A_254 = arith.constant 112 : index
      %parallel_loop3A_255 = tpu.vector_load %arg9[%parallel_loop3A_253, %parallel_loop3A_254] {strides = array<i32>} : memref<200x128xf32, #tpu.memory_space<vmem>>, vector<1x16xf32>,
      %parallel_loop3A_256 = vector.shape_cast %parallel_loop3A_255 : vector<1x16xf32> to vector<16xf32>
      %parallel_loop3A_257 = arith.constant 11.3137083 : f32
      %parallel_loop3A_258 = vector.broadcast %parallel_loop3A_257 : f32 to vector<16xf32>
      %parallel_loop3A_259 = arith.mulf %parallel_loop3A_256, %parallel_loop3A_258 : vector<16xf32>
      %parallel_loop3A_260 = arith.addf %parallel_loop3A_259, %parallel_loop3A_239 : vector<16xf32>
      %parallel_loop3A_261 = arith.index_cast %parallel_loop3A_113 : i32 to index
      %parallel_loop3A_262 = arith.constant 112 : index
      %parallel_loop3A_263 = tpu.vector_load %arg9[%parallel_loop3A_261, %parallel_loop3A_262] {strides = array<i32>} : memref<200x128xf32, #tpu.memory_space<vmem>>, vector<1x16xf32>,
      %parallel_loop3A_264 = vector.shape_cast %parallel_loop3A_263 : vector<1x16xf32> to vector<16xf32>
      %parallel_loop3A_265 = vector.shape_cast %parallel_loop3A_260 : vector<16xf32> to vector<1x16xf32>
      tpu.vector_store %arg9[%parallel_loop3A_261, %parallel_loop3A_262], %parallel_loop3A_265 {strides = array<i32>} : memref<200x128xf32, #tpu.memory_space<vmem>>, vector<1x16xf32>,
    } {sc.loop_unroll_factor = 1 : i64, sc.parallel_access}
    %add3A_103 = arith.constant 6200 : i32
    %add3A_104 = arith.addi %mul3A_2, %add3A_103 : i32
    %dma_start3A_105 = arith.constant 0 : i32
    %dma_start3A_106 = tpu.memref_slice %arg5[%add3A_104, %dma_start3A_105] : memref<204800x128xf32, #tpu.memory_space<hbm>> -> memref<200x128xf32, #tpu.memory_space<hbm>>
    %dma_start3A_107 = arith.constant 0 : i32
    %dma_start3A_108 = tpu.memref_slice %arg5[%add3A_104, %dma_start3A_107] : memref<204800x128xf32, #tpu.memory_space<hbm>> -> memref<200x128xf32, #tpu.memory_space<hbm>>
    tpu.enqueue_dma source(%arg9 : memref<200x128xf32, #tpu.memory_space<vmem>>) target(%dma_start3A_108 : memref<200x128xf32, #tpu.memory_space<hbm>>) target_semaphore(%arg15 : memref<!tpu.dma_semaphore, #tpu.memory_space<semaphore_mem>>)
    %dma_wait3A_109 = arith.constant 0 : i32
    %dma_wait3A_110 = tpu.memref_slice %arg5[%mul3A_2, %dma_wait3A_109] : memref<204800x128xf32, #tpu.memory_space<hbm>> -> memref<200x128xf32, #tpu.memory_space<hbm>>
    %dma_wait3A_111 = arith.constant 0 : i32
    %dma_wait3A_112 = tpu.memref_slice %arg5[%mul3A_2, %dma_wait3A_111] : memref<204800x128xf32, #tpu.memory_space<hbm>> -> memref<200x128xf32, #tpu.memory_space<hbm>>
    tpu.wait_dma2 semaphore(%arg15 : memref<!tpu.dma_semaphore, #tpu.memory_space<semaphore_mem>>) src(%arg9 : memref<200x128xf32, #tpu.memory_space<vmem>>) dst(%dma_wait3A_112 : memref<200x128xf32, #tpu.memory_space<hbm>>)
    return
  }
}

</mosaic_0001>

<sc_bundles>
// kernel: kernel.3.cloned.1.call-start
scs
__scs_entry_jumppad:
0x0: {  	(pc) =	sbr.rel $0x88, $3  }
0x1: {  	(tag) =	ssettag $0x0;
	lr =	simm.s32 $0x1  }
0x2: {  	[smem:$0x3F9F] =	sst lr;
	_ =	strace $0xD0000000  }
0x3: {  	_ = 	snop  }
0x4: {  	_ = 	snop  }
0x5: {  	_ = 	snop  }
0x6: {  	_ = 	snop  }
0x7: {  	_ = 	snop  }
__scs_overlays_trampoline_lowered:
0x8: {  	[smem:$0x3FAE] =	sst s0  }
0x9: {  	[smem:$0x3FAF] =	sst s1  }
0xa: {  	[smem:$0x3FB0] =	sst s2  }
0xb: {  	[smem:$0x3FB1] =	sst s3  }
0xc: {  	[smem:$0x3FB2] =	sst s4  }
0xd: {  	[smem:$0x3FB3] =	sst s5  }
0xe: {  	[smem:$0x3FB4] =	sst s6  }
0xf: {  	[smem:$0x3FB5] =	sst s7  }
0x10: {  	[smem:$0x3FB6] =	sst s8  }
0x11: {  	[smem:$0x3FB7] =	sst s9;
	s0 =	simm.s32 @!p0 $0x0  }
0x12: {  	s1 =	sld [smem:$0x3F9D];
	s0 =	simm.s32 @p0 $0x1  }
0x13: {  	[smem:$0x3FB8] =	sst s0;
	s0 =	simm.s32 @!p1 $0x0  }
0x14: {  	s2 =	sld [smem:$0x3F9C];
	s0 =	simm.s32 @p1 $0x1  }
0x15: {  	[smem:$0x3FB9] =	sst s0;
	s0 =	simm.s32 @!p2 $0x0  }
0x16: {  	s3 =	sld [smem:$0x3FDB];
	s0 =	simm.s32 @p2 $0x1  }
0x17: {  	s4 =	simm.s32 $0x1BF5;
	[smem:$0x3FBB] =	sst s0  }
0x18: {  	s0 =	sld [smem:$0x3F9E];
	_ =	swait.ge [sflag:s4], $0x0  }
0x19: {  	s7 =	sld [smem:$0x3F9F]  }
0x1a: {  	s8 =	sadd.s32 $0xFFFFE003, lr  }
0x1b: {  	s9 =	sadd.s32 $0xFFFFFEF7, lr;
	s5 =	simm.s32 $0xFFFFFFFF;
	p2 =	slt.u32 s8, $0xFFFFF086  }
0x1c: {  	p1 =	slt.u32 s9, $0xF7A;
	s5 =	simm.s32 @!p2 $0x0  }
0x1d: {  	s5 =	simm.s32 @p1 $0x1;
	p0 =	seq.s32 s7, s2  }
0x1e: {  	s7 =	smul.u32 @!p0 $0xF7A, s2;
	p2 =	seq.s32 @!p0 s5, $0x0  }
0x1f: {  	s9 =	smul.u32 $0xF7A, s1;
	s8 =	simm.s32 @!p0 $0x1BF5;
	p2 =	por !p2, p0  }
0x20: {  	[sflag:s8] =	ssyncset.s32 @!p0 $0xFFFFF086;
	s6 =	sadd.s32 @!p0 s3, s7;
	s7 =	simm.s32 @!p0 $0x108  }
0x21: {  	s3 =	sadd.s32 s3, s9;
	s6 =	sadd.s32 @!p0 $0x88, s6;
	s7 =	simm.s32 @p2 $0x1082  }
0x22: {  	[simem:s7], [sflag:s8] =	dma.local @!p0 [hbm:s6], $0xF7A  }
0x23: {  	s9 =	sor.u32 $0xD0000000, s2;
	s6 =	simm.s32 $0x108;
	_ =	swait.ge @!p0 [sflag:s8], $0x0  }
0x24: {  	s3 =	sadd.s32 $0x88, s3;
	s6 =	simm.s32 @!p1 $0x1082;
	[sflag:s4] =	ssyncset.s32 $0xFFFFF086  }
0x25: {  	[simem:s6], [sflag:s4] =	dma.local [hbm:s3], $0xF7A  }
0x26: {  	[smem:$0x3F9F] =	sst s1;
	(tag) =	ssettag s2;
	_ =	strace s9  }
0x27: {  	s1 =	sld [smem:$0x3FAF]  }
0x28: {  	s2 =	sld [smem:$0x3FB0]  }
0x29: {  	s4 =	sld [smem:$0x3FB2]  }
0x2a: {  	p0 =	seq.s32 s5, $0x0;
	s5 =	sld [smem:$0x3FB3]  }
0x2b: {  	s6 =	sld [smem:$0x3FB4]  }
0x2c: {  	s7 =	sld [smem:$0x3FB5]  }
0x2d: {  	s3 =	simm.s32 $0x108;
	s8 =	sld [smem:$0x3FB6]  }
0x2e: {  	s3 =	simm.s32 @!p0 $0x1082;
	s9 =	sld [smem:$0x3FB7]  }
0x2f: {  	lr =	sadd.s32 s0, s3;
	s0 =	sld [smem:$0x3FAE]  }
0x30: {  	s3 =	sld [smem:$0x3FB1]  }
0x31: {  	[smem:$0x3FBA] =	sst s10  }
0x32: {  	s10 =	sld [smem:$0x3FB8];
	_ =	sdelay $0x3  }
0x33: {  	p0 =	seq.s32 s10, $0x1;
	s10 =	sld [smem:$0x3FBA];
	_ =	sdelay $0x3  }
0x34: {  	[smem:$0x3FBA] =	sst s10  }
0x35: {  	s10 =	sld [smem:$0x3FB9];
	_ =	sdelay $0x3  }
0x36: {  	p1 =	seq.s32 s10, $0x1;
	s10 =	sld [smem:$0x3FBA];
	_ =	sdelay $0x3  }
0x37: {  	[smem:$0x3FBA] =	sst s10  }
0x38: {  	s10 =	sld [smem:$0x3FBB]  }
0x39: {  	_ = 	snop;
	(pc) =	sbr.ind lr, $3  }
0x3a: {  	_ = 	snop  }
0x3b: {  	_ = 	snop  }
0x3c: {  	p2 =	seq.s32 s10, $0x1;
	s10 =	sld [smem:$0x3FBA]  }
0x3d: {  	_ =	shalt  }
0x3e: {  	_ =	shalt  }
0x3f: {  	_ =	shalt  }
0x40: {  	_ =	shalt  }
0x41: {  	_ =	shalt  }
0x42: {  	_ =	shalt  }
0x43: {  	_ =	shalt  }
0x44: {  	_ =	shalt  }
0x45: {  	_ =	shalt  }
0x46: {  	_ =	shalt  }
0x47: {  	_ =	shalt  }
0x48: {  	_ =	shalt  }
0x49: {  	_ =	shalt  }
0x4a: {  	_ =	shalt  }
0x4b: {  	_ =	shalt  }
0x4c: {  	_ =	shalt  }
0x4d: {  	_ =	shalt  }
0x4e: {  	_ =	shalt  }
0x4f: {  	_ =	shalt  }
0x50: {  	_ =	shalt  }
0x51: {  	_ =	shalt  }
0x52: {  	_ =	shalt  }
0x53: {  	_ =	shalt  }
0x54: {  	_ =	shalt  }
0x55: {  	_ =	shalt  }
0x56: {  	_ =	shalt  }
0x57: {  	_ =	shalt  }
0x58: {  	_ =	shalt  }
0x59: {  	_ =	shalt  }
0x5a: {  	_ =	shalt  }
0x5b: {  	_ =	shalt  }
0x5c: {  	_ =	shalt  }
0x5d: {  	_ =	shalt  }
0x5e: {  	_ =	shalt  }
0x5f: {  	_ =	shalt  }
0x60: {  	_ =	shalt  }
0x61: {  	_ =	shalt  }
0x62: {  	_ =	shalt  }
0x63: {  	_ =	shalt  }
0x64: {  	_ =	shalt  }
0x65: {  	_ =	shalt  }
0x66: {  	_ =	shalt  }
0x67: {  	_ =	shalt  }
0x68: {  	_ =	shalt  }
0x69: {  	_ =	shalt  }
0x6a: {  	_ =	shalt  }
0x6b: {  	_ =	shalt  }
0x6c: {  	_ =	shalt  }
0x6d: {  	_ =	shalt  }
0x6e: {  	_ =	shalt  }
0x6f: {  	_ =	shalt  }
0x70: {  	_ =	shalt  }
0x71: {  	_ =	shalt  }
0x72: {  	_ =	shalt  }
0x73: {  	_ =	shalt  }
0x74: {  	_ =	shalt  }
0x75: {  	_ =	shalt  }
0x76: {  	_ =	shalt  }
0x77: {  	_ =	shalt  }
0x78: {  	_ =	shalt  }
0x79: {  	_ =	shalt  }
0x7a: {  	_ =	shalt  }
0x7b: {  	_ =	shalt  }
0x7c: {  	_ =	shalt  }
0x7d: {  	_ =	shalt  }
0x7e: {  	_ =	shalt  }
0x7f: {  	_ =	shalt  }
0x80: {  	_ =	shalt  }
0x81: {  	_ =	shalt  }
0x82: {  	_ =	shalt  }
0x83: {  	_ =	shalt  }
0x84: {  	_ =	shalt  }
0x85: {  	_ =	shalt  }
0x86: {  	_ =	shalt  }
0x87: {  	_ =	shalt  }
.Lfunc_end0:
.L_simem_size_0:
called_computation_lowered:
.L_overlay_start_0:
0x88: {  	s2 =	sld [smem:$0x3FD9]  }
0x89: {  	s3 =	sld [smem:$0x3FFE];
	_ =	sdelay $0x1  }
0x8a: {  	s1 =	srdreg.scid  }
0x8b: {  	s0 =	sand.u32 $0x1, s1  }
0x8c: {  	s17 =	sshll.u32 s0, $0xA;
	s2 =	sadd.s32 s3, s2  }
0x8d: {  	s2 =	sadd.s32 s2, s17  }
0x8e: {  	[smem:$0x3FC6] =	sst s2  }
0x8f: {  	_ = 	snop  }
0x90: {  	s2 =	sld [smem:$0x3FC8]  }
0x91: {  	s18 =	sld [smem:$0x3FD0];
	(tm) =	ssettm $0x1  }
0x92: {  	s4 =	sld [smem:$0x3FFB];
	_ =	sdelay $0x3  }
0x93: {  	_ =	strace s4  }
0x94: {  	s4 =	sld [smem:$0x3FFC];
	_ =	sdelay $0x3  }
0x95: {  	_ =	strace s4  }
0x96: {  	s4 =	sld [smem:$0x3FFD];
	_ =	sdelay $0x3  }
0x97: {  	_ =	strace s4  }
0x98: {  	_ =	strace $0x8FFFFFFF  }
0x99: {  	s19 =	sld [smem:$0x3FDB];
	_ =	sdelay $0x1  }
0x9a: {  	s5 =	simm.s32 $_scs_section_size  }
0x9b: {  	s6 =	simm.s32 $_size__tile_overlayer_lowered;
	s7 =	simm.s32 $_tile_overlayer_lowered  }
0x9c: {  	s22 =	simm.s32 $0x1BFF;
	s21 =	sshll.u32 s7, $0x1;
	s4 =	sadd.s32 s5, s19  }
0x9d: {  	s8 =	simm.s32 $0x0;
	s20 =	sshll.u32 s6, $0x1;
	s6 =	sadd.s32 s21, s4  }
0x9e: {  	[timem:s8], [sflag:s22] =	dma.local [hbm:s6], s20  }
0x9f: {  	_ =	swait.ge [sflag:s22], s20  }
0xa0: {  	s5 =	ssub.s32 $0x0, s20;
	[sflag:s22] =	ssyncset.done $0x0  }
0xa1: {  	[sflag:s22] =	ssyncadd.s32 s5;
	_ =	sdelay $0x1  }
0xa2: {  	s23 =	simm.s32 $0x1B8B  }
0xa3: {  	_ =	swait.ge [sflag:s23], $0x1  }
0xa4: {  	[sflag:s23] =	ssyncset.done $0x0  }
0xa5: {  	s25 =	simm.s32 $0x1B8E;
	s24 =	sld [smem:$0x3FFE];
	[sflag:s23] =	ssyncadd.s32 $0xFFFFFFFF  }
0xa6: {  	s26 =	simm.s32 $execute0_lowered;
	[smem:$0x3FD2] =	sst s25  }
0xa7: {  	s6 =	sshll.u32 s26, $0x1;
	_ =	strace $0x80000046;
	[dreg:$0x1] =	wrdreg $0xFFFFFFFF  }
0xa8: {  	s28 =	simm.s32 $_size_execute0_lowered;
	s4 =	sadd.s32 s4, s6;
	[dreg:$0x0] =	wrdreg $0x0  }
0xa9: {  	s6 =	sshll.u32 s28, $0x1;
	[dreg:$0x2] =	wrdreg s4  }
0xaa: {  	[dreg:$0x3] =	wrdreg s6  }
0xab: {  	[dreg:$0x4] =	wrdreg $0xC0  }
0xac: {  	_ =	task [dreg:s8], $0x5FFFF  }
0xad: {  	[dreg:$0x1] =	wrdreg $0xFFFFFFFF  }
0xae: {  	[dreg:$0x0] =	wrdreg $0x60  }
0xaf: {  	[dreg:$0x2] =	wrdreg s24  }
0xb0: {  	[dreg:$0x3] =	wrdreg s2  }
0xb1: {  	[dreg:$0x4] =	wrdreg s18  }
0xb2: {  	[dreg:$0x5] =	wrdreg $0x9  }
0xb3: {  	_ =	task.clear_ibuf [dreg:s8], $0x6FFFF;
	_ =	strace $0x90000046  }
0xb4: {  	s29 =	simm.s32 $0x9;
	_ =	strace $0x80000048  }
0xb5: {  	_ =	swait.ge [sflag:s29], $0x1  }
0xb6: {  	[sflag:s29] =	ssyncadd.s32 $0xFFFFFFFF  }
0xb7: {  	_ =	strace $0x90000048  }
0xb8: {  	_ =	sfence  }
0xb9: {  	s30 =	sld [smem:$0x0];
	_ =	sdelay $0x2  }
0xba: {  	s31 =	sshll.u32 s1, $0xD;
	s1 =	sshrl.u32 s1, $0x2  }
0xbb: {  	s3 =	sand.u32 $0x4000, s31;
	s1 =	sadd.s32 s1, s30  }
0xbc: {  	s0 =	sor.u32 s3, s0;
	s1 =	sshll.u32 s1, $0x11  }
0xbd: {  	s0 =	sor.u32 s1, s0  }
0xbe: {  	s0 =	sadd.s32 $0x8F2B, s0  }
0xbf: {  	[sflag:s0] =	ssyncadd.remote.s32 $0x1  }
0xc0: {  	_ =	sfence.sel $0xFFFF  }
0xc1: {  	[dreg:$0x0] =	wrdreg $0xFFFFFFFF;
	(pc) =	sbr.abs _section_cstart, $3  }
0xc2: {  	[dreg:$0x1] =	wrdreg $0xFFFFFFFF  }
0xc3: {  	_ =	task.clear_ibuf [dreg:s8], $0x2FFFF;
	_ =	strace $0x9FFFFFFF  }
0xc4: {  	(tm) =	ssettm $0x7FFFFFFF  }
0xc5: {  	_ =	shalt  }
tec
execute0_lowered:
.L_overlay_start_1:
0x0: {  	(tag) =	ssettag $0x1  }
0x1: {  	s0 =	rddreg [dreg:$0x0]  }
0x2: {  	s2 =	rddreg [dreg:$0x1]  }
0x3: {  	s3 =	rddreg [dreg:$0x2];
	s1 =	srdreg.scid  }
0x4: {  	s5 =	stileid.u32;
	s4 =	simm.s32 $0x0;
	s13 =	simm.s32 $0x7  }
0x5: {  	s14 =	simm.s32 $0x64;
	s15 =	simm.s32 $0x8400;
	s17 =	simm.s32 $0xB600  }
0x6: {  	s18 =	simm.s32 $0x1;
	s20 =	simm.s32 $0xE800;
	s22 =	simm.s32 $0x11A00  }
0x7: {  	s23 =	simm.s32 $0x2;
	s24 =	simm.s32 $0x4;
	s28 =	simm.s32 $0x3  }
0x8: {  	s29 =	simm.s32 $0x5;
	s1 =	sand.u32 $0x1, s1;
	s5 =	sshll.u32 s5, $0x1  }
0x9: {  	s30 =	simm.s32 $0x6;
	s31 =	simm.s32 $0x0;
	s6 =	sor.u32 s1, s5  }
0xa: {  	[smem:$0x7FF] =	sst s4;
	s1 =	ssub.s32 $0x2, s1;
	s5 =	smul.u32 $0x1900, s6  }
0xb: {  	s7 =	sshll.u32 s6, $0xA;
	s8 =	smul.u32 $0xC8000, s6;
	s25 =	sshrl.u32 s1, $0x1  }
0xc: {  	s6 =	smul.u32 $0x19000, s6;
	s7 =	sadd.s32 s7, s0;
	s0 =	sadd.s32 $0x8400, s0  }
0xd: {  	_ =	strace $0x80000047;
	[dreg:$0x4] =	wrdreg s0;
	s0 =	ssub.s32 s1, s25  }
0xe: {  	s7 =	sadd.s32 $0x400, s7;
	s26 =	sshrl.u32 s8, $0x3;
	s8 =	sadd.s32 s3, s6  }
0xf: {  	s9 =	sor.u32 $0xC8, s5;
	s25 =	simm.s32 $0x14C00;
	s1 =	sadd.s32 s3, s26  }
0x10: {  	s11 =	smax.u32 s0, $0x1;
	s26 =	simm.s32 $0x17E00;
	s10 =	sadd.s32 $0x18380, s1  }
.LBB2_1:
0x11: {  	s0 =	rddreg [dreg:$0x4];
	s1 =	simm.s32 $0x2000  }
0x12: {  	[tilespmem:s1], [sflag:$0x7] =	stream.linear.gather [hbm4b:s0+s4], $0x6400, $0x38;
	[tilespmem:$0x1B000] =	vst v63  }
0x13: {  	_ =	swait.ge [sflag:s13], $0x6400  }
0x14: {  	[sflag:s13] =	ssyncset.done $0x0  }
0x15: {  	[sflag:s13] =	ssyncadd.s32 $0xFFFF9C00  }
0x16: {  	[tilespmem:s4], [sflag:$0x7] =	stream.linear.gather [hbm4b:s7+s4], $0x2000, $0x38;
	[tilespmem:$0x1B000] =	vst v63  }
0x17: {  	_ =	swait.ge [sflag:s13], $0x2000  }
0x18: {  	[sflag:s13] =	ssyncset.done $0x0  }
0x19: {  	[sflag:s13] =	ssyncadd.s32 $0xFFFFE000  }
0x1a: {  	[tilespmem:s15], [sflag:$0x1] =	stream.indirect.gather [hbm4b:s2+s14], $0x80, s4, s14, $0xb8;
	[tilespmem:$0x1B000] =	vst v63  }
0x1b: {  	s16 =	simm.s32 $0x80  }
0x1c: {  	[tilespmem:s17], [sflag:$0x1] =	stream.indirect.gather [hbm4b:s2+s14], $0x80, s16, s14, $0xb8;
	[tilespmem:$0x1B000] =	vst v63  }
0x1d: {  	_ =	swait.ge [sflag:s18], $0x3200  }
0x1e: {  	[sflag:s18] =	ssyncset.done $0x0  }
0x1f: {  	[sflag:s18] =	ssyncadd.s32 $0xFFFFCE00  }
0x20: {  	_ =	swait.ge [sflag:s18], $0x3200  }
0x21: {  	[sflag:s18] =	ssyncset.done $0x0  }
0x22: {  	s19 =	simm.s32 $0x100;
	[sflag:s18] =	ssyncadd.s32 $0xFFFFCE00  }
0x23: {  	[tilespmem:s20], [sflag:$0x2] =	stream.indirect.gather [hbm4b:s2+s14], $0x80, s19, s14, $0xb8;
	[tilespmem:$0x1B000] =	vst v63  }
0x24: {  	s21 =	simm.s32 $0x180;
	s1 =	simm.s32 $0x0  }
0x25: {  	[tilespmem:s22], [sflag:$0x2] =	stream.indirect.gather [hbm4b:s2+s14], $0x80, s21, s14, $0xb8;
	[tilespmem:$0x1B000] =	vst v63  }
0x26: {  	v0 =	vld [tilespmem:s1+$0x8470]  }
0x27: {  	v3 =	vld [tilespmem:s1+$0x2030]  }
0x28: {  	v1 =	vld [tilespmem:s1+$0x8400]  }
0x29: {  	v2 =	vld [tilespmem:s1+$0x8410]  }
0x2a: {  	v4 =	vld [tilespmem:s1+$0x8420]  }
0x2b: {  	v5 =	vld [tilespmem:s1+$0x8430]  }
0x2c: {  	v6 =	vld [tilespmem:s1+$0x8440]  }
0x2d: {  	v8 =	vld [tilespmem:s1+$0x8450]  }
0x2e: {  	v9 =	vld [tilespmem:s1+$0x2000];
	v0 =	vmul.f32 $1.131370830e+01, v0  }
0x2f: {  	s0 =	simm.s32 $0x80;
	v10 =	vld [tilespmem:s1+$0x2020];
	v7 =	vand.u32 $0xFFFF0000, v3  }
0x30: {  	v11 =	vld [tilespmem:s0+$0x8470];
	v0 =	vadd.f32 v7, v0  }
0x31: {  	v12 =	vld [tilespmem:s0+$0x2030]  }
0x32: {  	[tilespmem:s1+$0x8470] =	vst v0;
	v0 =	vld [tilespmem:s1+$0x2010]  }
0x33: {  	v13 =	vld [tilespmem:s0+$0x8400];
	v1 =	vmul.f32 $1.131370830e+01, v1;
	v2 =	vmul.f32 $1.131370830e+01, v2  }
0x34: {  	v15 =	vld [tilespmem:s0+$0x8410];
	v14 =	vshll.u32 v9, $0x10;
	v4 =	vmul.f32 $1.131370830e+01, v4;
	v9 =	vand.u32 $0xFFFF0000, v9  }
0x35: {  	v5 =	vmul.f32 $1.131370830e+01, v5;
	v6 =	vmul.f32 $1.131370830e+01, v6;
	v7 =	vld [tilespmem:s1+$0x8460];
	v1 =	vadd.f32 v14, v1  }
0x36: {  	v11 =	vmul.f32 $1.131370830e+01, v11;
	v17 =	vshll.u32 v10, $0x10;
	v2 =	vadd.f32 v9, v2;
	v9 =	vld [tilespmem:s0+$0x8430]  }
0x37: {  	v61 =	vld [tilespmem:s0+$0x8420];
	v6 =	vadd.f32 v17, v6;
	[tilespmem:s1+$0x8400] =	vst v1;
	v16 =	vshll.u32 v0, $0x10;
	v0 =	vand.u32 $0xFFFF0000, v0  }
0x38: {  	v62 =	vld [tilespmem:s0+$0x8440];
	[tilespmem:s1+$0x8410] =	vst v2;
	v4 =	vadd.f32 v16, v4;
	v0 =	vadd.f32 v0, v5;
	v5 =	vand.u32 $0xFFFF0000, v12  }
0x39: {  	v8 =	vmul.f32 $1.131370830e+01, v8;
	v1 =	vld [tilespmem:s0+$0x8450];
	[tilespmem:s1+$0x8440] =	vst v6;
	v5 =	vadd.f32 v5, v11  }
0x3a: {  	v2 =	vld [tilespmem:s0+$0x8460];
	v11 =	vmul.f32 $1.131370830e+01, v7;
	[tilespmem:s1+$0x8420] =	vst v4;
	v4 =	vshll.u32 v3, $0x10;
	v3 =	vand.u32 $0xFFFF0000, v10  }
0x3b: {  	v6 =	vmul.f32 $1.131370830e+01, v9;
	[tilespmem:s1+$0x8430] =	vst v0;
	v10 =	vld [tilespmem:s0+$0x2000];
	v63 =	vadd.f32 v3, v8  }
0x3c: {  	v7 =	vmul.f32 $1.131370830e+01, v13;
	[tilespmem:s0+$0x8470] =	vst v5;
	v5 =	vmul.f32 $1.131370830e+01, v15;
	v8 =	vld [tilespmem:s0+$0x2010];
	v11 =	vadd.f32 v4, v11  }
0x3d: {  	s12 =	simm.s32 $0x100;
	s16 =	simm.s32 $0x600;
	v9 =	vld [tilespmem:s0+$0x2020];
	v0 =	vshll.u32 v12, $0x10;
	v3 =	vmul.f32 $1.131370830e+01, v61;
	v4 =	vmul.f32 $1.131370830e+01, v62;
	[tilespmem:s1+$0x8450] =	vst v63  }
.LBB2_2:
0x3e: {  	p0 =	sne.s32 s16, $0x18E00;
	v12 =	vld [tilespmem:s12+$0x8470];
	v13 =	vmul.f32 $1.131370830e+01, v1;
	[tilespmem:s1+$0x8460] =	vst v11;
	s1 =	smov.u32 s0;
	s0 =	smov.u32 s12  }
0x3f: {  	v1 =	vld [tilespmem:s0+$0x2030];
	v11 =	vmul.f32 $1.131370830e+01, v2  }
0x40: {  	v2 =	vld [tilespmem:s0+$0x8400];
	v14 =	vshll.u32 v10, $0x10;
	v10 =	vand.u32 $0xFFFF0000, v10  }
0x41: {  	v15 =	vld [tilespmem:s0+$0x8410];
	v7 =	vadd.f32 v14, v7;
	v14 =	vshll.u32 v8, $0x10;
	v8 =	vand.u32 $0xFFFF0000, v8  }
0x42: {  	v5 =	vadd.f32 v10, v5;
	v16 =	vld [tilespmem:s0+$0x8420];
	v10 =	vshll.u32 v9, $0x10;
	v9 =	vand.u32 $0xFFFF0000, v9  }
0x43: {  	v3 =	vadd.f32 v14, v3;
	v6 =	vadd.f32 v8, v6;
	v17 =	vld [tilespmem:s0+$0x8430];
	v12 =	vmul.f32 $1.131370830e+01, v12;
	[tilespmem:s1+$0x8400] =	vst v7  }
0x44: {  	v4 =	vadd.f32 v10, v4;
	v14 =	vld [tilespmem:s0+$0x8440];
	v8 =	vshll.u32 v1, $0x10;
	v18 =	vand.u32 $0xFFFF0000, v1;
	[tilespmem:s1+$0x8410] =	vst v5  }
.Ltmp0:
0x45: {  	v13 =	vadd.f32 v9, v13;
	v7 =	vmul.f32 $1.131370830e+01, v2;
	v1 =	vld [tilespmem:s0+$0x8450];
	v12 =	vadd.f32 v18, v12;
	[tilespmem:s1+$0x8420] =	vst v3;
	(pc) =	sbr.rel @p0 .LBB2_2-.Ltmp0, $4  }
0x46: {  	v11 =	vadd.f32 v0, v11;
	v0 =	vmov v8;
	v5 =	vmul.f32 $1.131370830e+01, v15;
	v2 =	vld [tilespmem:s0+$0x8460];
	[tilespmem:s1+$0x8430] =	vst v6  }
0x47: {  	v10 =	vld [tilespmem:s0+$0x2000];
	v3 =	vmul.f32 $1.131370830e+01, v16;
	[tilespmem:s0+$0x8470] =	vst v12  }
0x48: {  	v8 =	vld [tilespmem:s0+$0x2010];
	v6 =	vmul.f32 $1.131370830e+01, v17;
	[tilespmem:s1+$0x8440] =	vst v4  }
0x49: {  	s12 =	sshra.s32 s16, $0x2;
	s16 =	sadd.s32 $0x200, s16;
	v9 =	vld [tilespmem:s0+$0x2020];
	v4 =	vmul.f32 $1.131370830e+01, v14;
	[tilespmem:s1+$0x8450] =	vst v13  }
0x4a: {  	v12 =	vld [tilespmem:s12+$0x8470]  }
0x4b: {  	v13 =	vld [tilespmem:s12+$0x2030]  }
0x4c: {  	v14 =	vld [tilespmem:s12+$0x8400]  }
0x4d: {  	v15 =	vld [tilespmem:s12+$0x8410];
	v18 =	vshll.u32 v10, $0x10  }
0x4e: {  	v16 =	vld [tilespmem:s12+$0x8420];
	v2 =	vmul.f32 $1.131370830e+01, v2;
	v41 =	vand.u32 $0xFFFF0000, v10;
	v7 =	vadd.f32 v18, v7  }
0x4f: {  	v17 =	vld [tilespmem:s12+$0x8430];
	[tilespmem:s1+$0x8460] =	vst v11;
	v5 =	vadd.f32 v41, v5  }
0x50: {  	v45 =	vld [tilespmem:s12+$0x2000];
	v44 =	vshll.u32 v8, $0x10;
	v0 =	vadd.f32 v0, v2;
	[tilespmem:s0+$0x8400] =	vst v7  }
0x51: {  	v19 =	vld [tilespmem:s12+$0x8440];
	v46 =	vand.u32 $0xFFFF0000, v8;
	v3 =	vadd.f32 v44, v3;
	[tilespmem:s0+$0x8410] =	vst v5  }
0x52: {  	v1 =	vmul.f32 $1.131370830e+01, v1;
	v48 =	vld [tilespmem:s12+$0x2010];
	v6 =	vadd.f32 v46, v6;
	v47 =	vshll.u32 v9, $0x10;
	[tilespmem:s0+$0x8460] =	vst v0  }
0x53: {  	v20 =	vld [tilespmem:s12+$0x8450];
	v49 =	vand.u32 $0xFFFF0000, v9;
	v12 =	vmul.f32 $1.131370830e+01, v12;
	v4 =	vadd.f32 v47, v4;
	[tilespmem:s0+$0x8420] =	vst v3  }
0x54: {  	v51 =	vld [tilespmem:s12+$0x2020];
	v40 =	vand.u32 $0xFFFF0000, v13;
	v50 =	vmul.f32 $1.131370830e+01, v14;
	v1 =	vadd.f32 v49, v1;
	[tilespmem:s0+$0x8430] =	vst v6  }
0x55: {  	v43 =	vld [tilespmem:s12+$0x8460];
	v52 =	vmul.f32 $1.131370830e+01, v15;
	v53 =	vshll.u32 v45, $0x10;
	v42 =	vadd.f32 v40, v12;
	[tilespmem:s0+$0x8440] =	vst v4  }
0x56: {  	v54 =	vmul.f32 $1.131370830e+01, v16;
	v55 =	vand.u32 $0xFFFF0000, v45;
	[tilespmem:s0+$0x8450] =	vst v1;
	v2 =	vadd.f32 v53, v50  }
0x57: {  	v56 =	vmul.f32 $1.131370830e+01, v17;
	v57 =	vshll.u32 v48, $0x10;
	v1 =	vadd.f32 v55, v52;
	[tilespmem:s12+$0x8470] =	vst v42  }
0x58: {  	v58 =	vmul.f32 $1.131370830e+01, v19;
	v5 =	vand.u32 $0xFFFF0000, v48;
	v0 =	vadd.f32 v57, v54;
	[tilespmem:s12+$0x8400] =	vst v2  }
0x59: {  	v59 =	vmul.f32 $1.131370830e+01, v20;
	v60 =	vshll.u32 v51, $0x10;
	v3 =	vadd.f32 v5, v56;
	[tilespmem:s12+$0x8410] =	vst v1  }
0x5a: {  	v61 =	vmul.f32 $1.131370830e+01, v43;
	v62 =	vand.u32 $0xFFFF0000, v51;
	v4 =	vadd.f32 v60, v58;
	[tilespmem:s12+$0x8420] =	vst v0  }
0x5b: {  	v63 =	vshll.u32 v13, $0x10;
	v2 =	vadd.f32 v62, v59;
	[tilespmem:s12+$0x8430] =	vst v3  }
0x5c: {  	v0 =	vadd.f32 v63, v61;
	[tilespmem:s12+$0x8440] =	vst v4  }
0x5d: {  	[tilespmem:s12+$0x8450] =	vst v2  }
0x5e: {  	s0 =	simm.s32 $0x0;
	[tilespmem:s12+$0x8460] =	vst v0  }
0x5f: {  	[hbm4b:s8+s0] =	stream.linear.scatter [tilespmem:s15], [sflag:$0x4], $0x6400, $0x38;
	[tilespmem:$0x1B000] =	vst v63  }
0x60: {  	_ =	swait.ge [sflag:s23], $0x3200  }
0x61: {  	[sflag:s23] =	ssyncset.done $0x0  }
0x62: {  	[sflag:s23] =	ssyncadd.s32 $0xFFFFCE00  }
0x63: {  	_ =	swait.ge [sflag:s23], $0x3200  }
0x64: {  	[sflag:s23] =	ssyncset.done $0x0  }
0x65: {  	[sflag:s23] =	ssyncadd.s32 $0xFFFFCE00  }
.LBB2_4:
0x66: {  	s12 =	smul.u32 $0x3, s0;
	_ =	sdelay $0x1  }
0x67: {  	_ =	swait.ge [sflag:s24], $0x6400;
	s1 =	sadd.s32 $0x2, s12  }
0x68: {  	[sflag:s24] =	ssyncset.done $0x0;
	s6 =	sshll.u32 s1, $0x8  }
0x69: {  	[sflag:s24] =	ssyncadd.s32 $0xFFFF9C00;
	s6 =	sand.u32 $0x3FFFFF00, s6  }
0x6a: {  	[tilespmem:s25], [sflag:$0x3] =	stream.indirect.gather [hbm4b:s2+s14], $0x80, s6, s14, $0xb8;
	[tilespmem:$0x1B000] =	vst v63  }
0x6b: {  	s19 =	simm.s32 $0x0;
	s6 =	sor.u32 $0x80, s6  }
0x6c: {  	[tilespmem:s26], [sflag:$0x3] =	stream.indirect.gather [hbm4b:s2+s14], $0x80, s6, s14, $0xb8;
	[tilespmem:$0x1B000] =	vst v63  }
0x6d: {  	v0 =	vld [tilespmem:s19+$0xE870]  }
0x6e: {  	v3 =	vld [tilespmem:s19+$0x2030]  }
0x6f: {  	v1 =	vld [tilespmem:s19+$0xE800]  }
0x70: {  	v2 =	vld [tilespmem:s19+$0xE810]  }
0x71: {  	v4 =	vld [tilespmem:s19+$0xE820]  }
0x72: {  	v5 =	vld [tilespmem:s19+$0xE830]  }
0x73: {  	v6 =	vld [tilespmem:s19+$0xE840]  }
0x74: {  	v8 =	vld [tilespmem:s19+$0xE850]  }
0x75: {  	v9 =	vld [tilespmem:s19+$0x2000];
	v0 =	vmul.f32 $1.131370830e+01, v0  }
0x76: {  	s16 =	simm.s32 $0x80;
	v10 =	vld [tilespmem:s19+$0x2020];
	v7 =	vand.u32 $0xFFFF0000, v3  }
0x77: {  	v11 =	vld [tilespmem:s16+$0xE870];
	v0 =	vadd.f32 v7, v0  }
0x78: {  	v12 =	vld [tilespmem:s16+$0x2030]  }
0x79: {  	[tilespmem:s19+$0xE870] =	vst v0;
	v0 =	vld [tilespmem:s19+$0x2010]  }
0x7a: {  	v13 =	vld [tilespmem:s16+$0xE800];
	v1 =	vmul.f32 $1.131370830e+01, v1;
	v2 =	vmul.f32 $1.131370830e+01, v2  }
0x7b: {  	v15 =	vld [tilespmem:s16+$0xE810];
	v14 =	vshll.u32 v9, $0x10;
	v4 =	vmul.f32 $1.131370830e+01, v4;
	v9 =	vand.u32 $0xFFFF0000, v9  }
0x7c: {  	v5 =	vmul.f32 $1.131370830e+01, v5;
	v6 =	vmul.f32 $1.131370830e+01, v6;
	v7 =	vld [tilespmem:s19+$0xE860];
	v1 =	vadd.f32 v14, v1  }
0x7d: {  	v11 =	vmul.f32 $1.131370830e+01, v11;
	v17 =	vshll.u32 v10, $0x10;
	v2 =	vadd.f32 v9, v2;
	v9 =	vld [tilespmem:s16+$0xE830]  }
0x7e: {  	v61 =	vld [tilespmem:s16+$0xE820];
	v6 =	vadd.f32 v17, v6;
	[tilespmem:s19+$0xE800] =	vst v1;
	v16 =	vshll.u32 v0, $0x10;
	v0 =	vand.u32 $0xFFFF0000, v0  }
0x7f: {  	v62 =	vld [tilespmem:s16+$0xE840];
	[tilespmem:s19+$0xE810] =	vst v2;
	v4 =	vadd.f32 v16, v4;
	v0 =	vadd.f32 v0, v5;
	v5 =	vand.u32 $0xFFFF0000, v12  }
0x80: {  	v8 =	vmul.f32 $1.131370830e+01, v8;
	v1 =	vld [tilespmem:s16+$0xE850];
	[tilespmem:s19+$0xE840] =	vst v6;
	v5 =	vadd.f32 v5, v11  }
0x81: {  	v2 =	vld [tilespmem:s16+$0xE860];
	v11 =	vmul.f32 $1.131370830e+01, v7;
	[tilespmem:s19+$0xE820] =	vst v4;
	v4 =	vshll.u32 v3, $0x10;
	v3 =	vand.u32 $0xFFFF0000, v10  }
0x82: {  	v6 =	vmul.f32 $1.131370830e+01, v9;
	[tilespmem:s19+$0xE830] =	vst v0;
	v10 =	vld [tilespmem:s16+$0x2000];
	v63 =	vadd.f32 v3, v8  }
0x83: {  	v7 =	vmul.f32 $1.131370830e+01, v13;
	[tilespmem:s16+$0xE870] =	vst v5;
	v5 =	vmul.f32 $1.131370830e+01, v15;
	v8 =	vld [tilespmem:s16+$0x2010];
	v11 =	vadd.f32 v4, v11  }
0x84: {  	s21 =	simm.s32 $0x100;
	s6 =	simm.s32 $0x600;
	v9 =	vld [tilespmem:s16+$0x2020];
	v0 =	vshll.u32 v12, $0x10;
	v3 =	vmul.f32 $1.131370830e+01, v61;
	v4 =	vmul.f32 $1.131370830e+01, v62;
	[tilespmem:s19+$0xE850] =	vst v63  }
.LBB2_5:
0x85: {  	p0 =	sne.s32 s6, $0x18E00;
	v12 =	vld [tilespmem:s21+$0xE870];
	v13 =	vmul.f32 $1.131370830e+01, v1;
	[tilespmem:s19+$0xE860] =	vst v11;
	s19 =	smov.u32 s16;
	s16 =	smov.u32 s21  }
0x86: {  	v1 =	vld [tilespmem:s16+$0x2030];
	v11 =	vmul.f32 $1.131370830e+01, v2  }
0x87: {  	v2 =	vld [tilespmem:s16+$0xE800];
	v14 =	vshll.u32 v10, $0x10;
	v10 =	vand.u32 $0xFFFF0000, v10  }
0x88: {  	v15 =	vld [tilespmem:s16+$0xE810];
	v7 =	vadd.f32 v14, v7;
	v14 =	vshll.u32 v8, $0x10;
	v8 =	vand.u32 $0xFFFF0000, v8  }
0x89: {  	v5 =	vadd.f32 v10, v5;
	v16 =	vld [tilespmem:s16+$0xE820];
	v10 =	vshll.u32 v9, $0x10;
	v9 =	vand.u32 $0xFFFF0000, v9  }
0x8a: {  	v3 =	vadd.f32 v14, v3;
	v6 =	vadd.f32 v8, v6;
	v17 =	vld [tilespmem:s16+$0xE830];
	v12 =	vmul.f32 $1.131370830e+01, v12;
	[tilespmem:s19+$0xE800] =	vst v7  }
0x8b: {  	v4 =	vadd.f32 v10, v4;
	v14 =	vld [tilespmem:s16+$0xE840];
	v8 =	vshll.u32 v1, $0x10;
	v18 =	vand.u32 $0xFFFF0000, v1;
	[tilespmem:s19+$0xE810] =	vst v5  }
.Ltmp1:
0x8c: {  	v13 =	vadd.f32 v9, v13;
	v7 =	vmul.f32 $1.131370830e+01, v2;
	v1 =	vld [tilespmem:s16+$0xE850];
	v12 =	vadd.f32 v18, v12;
	[tilespmem:s19+$0xE820] =	vst v3;
	(pc) =	sbr.rel @p0 .LBB2_5-.Ltmp1, $4  }
0x8d: {  	v11 =	vadd.f32 v0, v11;
	v0 =	vmov v8;
	v5 =	vmul.f32 $1.131370830e+01, v15;
	v2 =	vld [tilespmem:s16+$0xE860];
	[tilespmem:s19+$0xE830] =	vst v6  }
0x8e: {  	v10 =	vld [tilespmem:s16+$0x2000];
	v3 =	vmul.f32 $1.131370830e+01, v16;
	[tilespmem:s16+$0xE870] =	vst v12  }
0x8f: {  	v8 =	vld [tilespmem:s16+$0x2010];
	v6 =	vmul.f32 $1.131370830e+01, v17;
	[tilespmem:s19+$0xE840] =	vst v4  }
0x90: {  	s21 =	sshra.s32 s6, $0x2;
	s6 =	sadd.s32 $0x200, s6;
	v9 =	vld [tilespmem:s16+$0x2020];
	v4 =	vmul.f32 $1.131370830e+01, v14;
	[tilespmem:s19+$0xE850] =	vst v13  }
0x91: {  	v12 =	vld [tilespmem:s21+$0xE870]  }
0x92: {  	v13 =	vld [tilespmem:s21+$0x2030]  }
0x93: {  	v14 =	vld [tilespmem:s21+$0xE800]  }
0x94: {  	v15 =	vld [tilespmem:s21+$0xE810];
	v18 =	vshll.u32 v10, $0x10  }
0x95: {  	v16 =	vld [tilespmem:s21+$0xE820];
	v2 =	vmul.f32 $1.131370830e+01, v2;
	v10 =	vand.u32 $0xFFFF0000, v10;
	v7 =	vadd.f32 v18, v7  }
0x96: {  	v17 =	vld [tilespmem:s21+$0xE830];
	[tilespmem:s19+$0xE860] =	vst v11;
	v5 =	vadd.f32 v10, v5  }
0x97: {  	v10 =	vshll.u32 v8, $0x10;
	v8 =	vand.u32 $0xFFFF0000, v8;
	v0 =	vadd.f32 v0, v2;
	[tilespmem:s16+$0xE800] =	vst v7;
	v7 =	vld [tilespmem:s21+$0x2000]  }
0x98: {  	v19 =	vld [tilespmem:s21+$0xE840];
	v6 =	vadd.f32 v8, v6;
	[tilespmem:s16+$0xE810] =	vst v5  }
0x99: {  	v1 =	vmul.f32 $1.131370830e+01, v1;
	v3 =	vadd.f32 v10, v3;
	v8 =	vshll.u32 v9, $0x10;
	v5 =	vld [tilespmem:s21+$0x2010];
	[tilespmem:s16+$0xE860] =	vst v0  }
0x9a: {  	v9 =	vand.u32 $0xFFFF0000, v9;
	v12 =	vmul.f32 $1.131370830e+01, v12;
	v4 =	vadd.f32 v8, v4;
	[tilespmem:s16+$0xE830] =	vst v6;
	v6 =	vld [tilespmem:s21+$0x2020]  }
0x9b: {  	v20 =	vld [tilespmem:s21+$0xE850];
	v53 =	vand.u32 $0xFFFF0000, v13;
	v1 =	vadd.f32 v9, v1;
	[tilespmem:s16+$0xE820] =	vst v3;
	v3 =	vmul.f32 $1.131370830e+01, v14  }
0x9c: {  	v54 =	vld [tilespmem:s21+$0xE860];
	v8 =	vmul.f32 $1.131370830e+01, v15;
	v11 =	vadd.f32 v53, v12;
	[tilespmem:s16+$0xE840] =	vst v4;
	v2 =	vshll.u32 v7, $0x10  }
0x9d: {  	v4 =	vmul.f32 $1.131370830e+01, v16;
	[tilespmem:s16+$0xE850] =	vst v1;
	v1 =	vand.u32 $0xFFFF0000, v7;
	v2 =	vadd.f32 v2, v3  }
0x9e: {  	[tilespmem:s21+$0xE870] =	vst v11;
	v0 =	vshll.u32 v5, $0x10;
	v7 =	vmul.f32 $1.131370830e+01, v19;
	v1 =	vadd.f32 v1, v8  }
0x9f: {  	v3 =	vmul.f32 $1.131370830e+01, v17;
	v0 =	vadd.f32 v0, v4;
	v4 =	vshll.u32 v6, $0x10;
	[tilespmem:s21+$0xE800] =	vst v2  }
0xa0: {  	v5 =	vand.u32 $0xFFFF0000, v5;
	v4 =	vadd.f32 v4, v7;
	v2 =	vmul.f32 $1.131370830e+01, v20;
	[tilespmem:s21+$0xE810] =	vst v1  }
0xa1: {  	s6 =	smul.u32 $0x258, s0;
	v3 =	vadd.f32 v5, v3;
	v1 =	vmul.f32 $1.131370830e+01, v54;
	v5 =	vand.u32 $0xFFFF0000, v6;
	[tilespmem:s21+$0xE820] =	vst v0  }
0xa2: {  	v0 =	vshll.u32 v13, $0x10;
	[tilespmem:s21+$0xE840] =	vst v4;
	v2 =	vadd.f32 v5, v2  }
0xa3: {  	s6 =	sadd.s32 s6, s9;
	[tilespmem:s21+$0xE830] =	vst v3;
	v0 =	vadd.f32 v0, v1  }
0xa4: {  	s6 =	sshll.u32 s6, $0x4;
	[tilespmem:s21+$0xE850] =	vst v2  }
0xa5: {  	s19 =	simm.s32 $0x0;
	s6 =	sadd.s32 s3, s6;
	[tilespmem:s21+$0xE860] =	vst v0  }
0xa6: {  	[hbm4b:s6+s19] =	stream.linear.scatter [tilespmem:s20], [sflag:$0x5], $0x6400, $0x38;
	[tilespmem:$0x1B000] =	vst v63  }
0xa7: {  	_ =	swait.ge [sflag:s28], $0x3200  }
0xa8: {  	[sflag:s28] =	ssyncset.done $0x0  }
0xa9: {  	[sflag:s28] =	ssyncadd.s32 $0xFFFFCE00  }
0xaa: {  	_ =	swait.ge [sflag:s28], $0x3200  }
0xab: {  	[sflag:s28] =	ssyncset.done $0x0  }
0xac: {  	[sflag:s28] =	ssyncadd.s32 $0xFFFFCE00  }
0xad: {  	s12 =	sadd.s32 $0x3, s12;
	_ =	swait.ge [sflag:s29], $0x6400  }
0xae: {  	s21 =	sshll.u32 s12, $0x8;
	[sflag:s29] =	ssyncset.done $0x0  }
0xaf: {  	s6 =	sand.u32 $0x3FFFFF00, s21;
	[sflag:s29] =	ssyncadd.s32 $0xFFFF9C00  }
0xb0: {  	[tilespmem:s15], [sflag:$0x1] =	stream.indirect.gather [hbm4b:s2+s14], $0x80, s6, s14, $0xb8;
	[tilespmem:$0x1B000] =	vst v63  }
0xb1: {  	s19 =	simm.s32 $0x0;
	s6 =	sor.u32 $0x80, s6  }
0xb2: {  	[tilespmem:s17], [sflag:$0x1] =	stream.indirect.gather [hbm4b:s2+s14], $0x80, s6, s14, $0xb8;
	[tilespmem:$0x1B000] =	vst v63  }
0xb3: {  	v0 =	vld [tilespmem:s19+$0x14C70]  }
0xb4: {  	v3 =	vld [tilespmem:s19+$0x2030]  }
0xb5: {  	v1 =	vld [tilespmem:s19+$0x14C00]  }
0xb6: {  	v2 =	vld [tilespmem:s19+$0x14C10]  }
0xb7: {  	v4 =	vld [tilespmem:s19+$0x14C20]  }
0xb8: {  	v5 =	vld [tilespmem:s19+$0x14C30]  }
0xb9: {  	v6 =	vld [tilespmem:s19+$0x14C40]  }
0xba: {  	v8 =	vld [tilespmem:s19+$0x14C50]  }
0xbb: {  	v9 =	vld [tilespmem:s19+$0x2000];
	v0 =	vmul.f32 $1.131370830e+01, v0  }
0xbc: {  	s16 =	simm.s32 $0x80;
	v10 =	vld [tilespmem:s19+$0x2020];
	v7 =	vand.u32 $0xFFFF0000, v3  }
0xbd: {  	v11 =	vld [tilespmem:s16+$0x14C70];
	v0 =	vadd.f32 v7, v0  }
0xbe: {  	v55 =	vld [tilespmem:s16+$0x2030]  }
0xbf: {  	[tilespmem:s19+$0x14C70] =	vst v0;
	v0 =	vld [tilespmem:s19+$0x2010]  }
0xc0: {  	v56 =	vld [tilespmem:s16+$0x14C00];
	v1 =	vmul.f32 $1.131370830e+01, v1;
	v2 =	vmul.f32 $1.131370830e+01, v2  }
0xc1: {  	v58 =	vld [tilespmem:s16+$0x14C10];
	v57 =	vshll.u32 v9, $0x10;
	v4 =	vmul.f32 $1.131370830e+01, v4;
	v9 =	vand.u32 $0xFFFF0000, v9  }
0xc2: {  	v5 =	vmul.f32 $1.131370830e+01, v5;
	v6 =	vmul.f32 $1.131370830e+01, v6;
	v7 =	vld [tilespmem:s19+$0x14C60];
	v1 =	vadd.f32 v57, v1  }
0xc3: {  	v11 =	vmul.f32 $1.131370830e+01, v11;
	v62 =	vshll.u32 v10, $0x10;
	v2 =	vadd.f32 v9, v2;
	v9 =	vld [tilespmem:s16+$0x14C30]  }
0xc4: {  	v59 =	vld [tilespmem:s16+$0x14C20];
	v6 =	vadd.f32 v62, v6;
	[tilespmem:s19+$0x14C00] =	vst v1;
	v60 =	vshll.u32 v0, $0x10;
	v0 =	vand.u32 $0xFFFF0000, v0  }
0xc5: {  	v61 =	vld [tilespmem:s16+$0x14C40];
	[tilespmem:s19+$0x14C10] =	vst v2;
	v4 =	vadd.f32 v60, v4;
	v0 =	vadd.f32 v0, v5;
	v5 =	vand.u32 $0xFFFF0000, v55  }
0xc6: {  	v8 =	vmul.f32 $1.131370830e+01, v8;
	v1 =	vld [tilespmem:s16+$0x14C50];
	[tilespmem:s19+$0x14C40] =	vst v6;
	v5 =	vadd.f32 v5, v11  }
0xc7: {  	v2 =	vld [tilespmem:s16+$0x14C60];
	v11 =	vmul.f32 $1.131370830e+01, v7;
	[tilespmem:s19+$0x14C20] =	vst v4;
	v4 =	vshll.u32 v3, $0x10;
	v3 =	vand.u32 $0xFFFF0000, v10  }
0xc8: {  	v6 =	vmul.f32 $1.131370830e+01, v9;
	[tilespmem:s19+$0x14C30] =	vst v0;
	v10 =	vld [tilespmem:s16+$0x2000];
	v63 =	vadd.f32 v3, v8  }
0xc9: {  	v7 =	vmul.f32 $1.131370830e+01, v56;
	[tilespmem:s16+$0x14C70] =	vst v5;
	v5 =	vmul.f32 $1.131370830e+01, v58;
	v8 =	vld [tilespmem:s16+$0x2010];
	v11 =	vadd.f32 v4, v11  }
0xca: {  	s21 =	simm.s32 $0x100;
	s6 =	simm.s32 $0x600;
	v9 =	vld [tilespmem:s16+$0x2020];
	v0 =	vshll.u32 v55, $0x10;
	v3 =	vmul.f32 $1.131370830e+01, v59;
	v4 =	vmul.f32 $1.131370830e+01, v61;
	[tilespmem:s19+$0x14C50] =	vst v63  }
.LBB2_7:
0xcb: {  	p0 =	sne.s32 s6, $0x18E00;
	v12 =	vld [tilespmem:s21+$0x14C70];
	v13 =	vmul.f32 $1.131370830e+01, v1;
	[tilespmem:s19+$0x14C60] =	vst v11;
	s19 =	smov.u32 s16;
	s16 =	smov.u32 s21  }
0xcc: {  	v1 =	vld [tilespmem:s16+$0x2030];
	v11 =	vmul.f32 $1.131370830e+01, v2  }
0xcd: {  	v2 =	vld [tilespmem:s16+$0x14C00];
	v14 =	vshll.u32 v10, $0x10;
	v10 =	vand.u32 $0xFFFF0000, v10  }
0xce: {  	v15 =	vld [tilespmem:s16+$0x14C10];
	v7 =	vadd.f32 v14, v7;
	v14 =	vshll.u32 v8, $0x10;
	v8 =	vand.u32 $0xFFFF0000, v8  }
0xcf: {  	v5 =	vadd.f32 v10, v5;
	v16 =	vld [tilespmem:s16+$0x14C20];
	v10 =	vshll.u32 v9, $0x10;
	v9 =	vand.u32 $0xFFFF0000, v9  }
0xd0: {  	v3 =	vadd.f32 v14, v3;
	v6 =	vadd.f32 v8, v6;
	v17 =	vld [tilespmem:s16+$0x14C30];
	v12 =	vmul.f32 $1.131370830e+01, v12;
	[tilespmem:s19+$0x14C00] =	vst v7  }
0xd1: {  	v4 =	vadd.f32 v10, v4;
	v14 =	vld [tilespmem:s16+$0x14C40];
	v8 =	vshll.u32 v1, $0x10;
	v18 =	vand.u32 $0xFFFF0000, v1;
	[tilespmem:s19+$0x14C10] =	vst v5  }
.Ltmp2:
0xd2: {  	v13 =	vadd.f32 v9, v13;
	v7 =	vmul.f32 $1.131370830e+01, v2;
	v1 =	vld [tilespmem:s16+$0x14C50];
	v12 =	vadd.f32 v18, v12;
	[tilespmem:s19+$0x14C20] =	vst v3;
	(pc) =	sbr.rel @p0 .LBB2_7-.Ltmp2, $4  }
0xd3: {  	v11 =	vadd.f32 v0, v11;
	v0 =	vmov v8;
	v5 =	vmul.f32 $1.131370830e+01, v15;
	v2 =	vld [tilespmem:s16+$0x14C60];
	[tilespmem:s19+$0x14C30] =	vst v6  }
0xd4: {  	v10 =	vld [tilespmem:s16+$0x2000];
	v3 =	vmul.f32 $1.131370830e+01, v16;
	[tilespmem:s16+$0x14C70] =	vst v12  }
0xd5: {  	v8 =	vld [tilespmem:s16+$0x2010];
	v6 =	vmul.f32 $1.131370830e+01, v17;
	[tilespmem:s19+$0x14C40] =	vst v4  }
0xd6: {  	s21 =	sshra.s32 s6, $0x2;
	s6 =	sadd.s32 $0x200, s6;
	v9 =	vld [tilespmem:s16+$0x2020];
	v4 =	vmul.f32 $1.131370830e+01, v14;
	[tilespmem:s19+$0x14C50] =	vst v13  }
0xd7: {  	v12 =	vld [tilespmem:s21+$0x14C70]  }
0xd8: {  	v13 =	vld [tilespmem:s21+$0x2030]  }
0xd9: {  	v14 =	vld [tilespmem:s21+$0x14C00]  }
0xda: {  	v15 =	vld [tilespmem:s21+$0x14C10];
	v18 =	vshll.u32 v10, $0x10  }
0xdb: {  	v16 =	vld [tilespmem:s21+$0x14C20];
	v2 =	vmul.f32 $1.131370830e+01, v2;
	v10 =	vand.u32 $0xFFFF0000, v10;
	v7 =	vadd.f32 v18, v7  }
0xdc: {  	v17 =	vld [tilespmem:s21+$0x14C30];
	[tilespmem:s19+$0x14C60] =	vst v11;
	v5 =	vadd.f32 v10, v5  }
0xdd: {  	v10 =	vshll.u32 v8, $0x10;
	v8 =	vand.u32 $0xFFFF0000, v8;
	v0 =	vadd.f32 v0, v2;
	[tilespmem:s16+$0x14C00] =	vst v7;
	v7 =	vld [tilespmem:s21+$0x2000]  }
0xde: {  	v19 =	vld [tilespmem:s21+$0x14C40];
	v6 =	vadd.f32 v8, v6;
	[tilespmem:s16+$0x14C10] =	vst v5  }
0xdf: {  	v1 =	vmul.f32 $1.131370830e+01, v1;
	v3 =	vadd.f32 v10, v3;
	v8 =	vshll.u32 v9, $0x10;
	v5 =	vld [tilespmem:s21+$0x2010];
	[tilespmem:s16+$0x14C60] =	vst v0  }
0xe0: {  	v9 =	vand.u32 $0xFFFF0000, v9;
	v12 =	vmul.f32 $1.131370830e+01, v12;
	v4 =	vadd.f32 v8, v4;
	[tilespmem:s16+$0x14C30] =	vst v6;
	v6 =	vld [tilespmem:s21+$0x2020]  }
0xe1: {  	v20 =	vld [tilespmem:s21+$0x14C50];
	v53 =	vand.u32 $0xFFFF0000, v13;
	v1 =	vadd.f32 v9, v1;
	[tilespmem:s16+$0x14C20] =	vst v3;
	v3 =	vmul.f32 $1.131370830e+01, v14  }
0xe2: {  	v54 =	vld [tilespmem:s21+$0x14C60];
	v8 =	vmul.f32 $1.131370830e+01, v15;
	v11 =	vadd.f32 v53, v12;
	[tilespmem:s16+$0x14C40] =	vst v4;
	v2 =	vshll.u32 v7, $0x10  }
0xe3: {  	v4 =	vmul.f32 $1.131370830e+01, v16;
	[tilespmem:s16+$0x14C50] =	vst v1;
	v1 =	vand.u32 $0xFFFF0000, v7;
	v2 =	vadd.f32 v2, v3  }
0xe4: {  	[tilespmem:s21+$0x14C70] =	vst v11;
	v0 =	vshll.u32 v5, $0x10;
	v7 =	vmul.f32 $1.131370830e+01, v19;
	v1 =	vadd.f32 v1, v8  }
0xe5: {  	v3 =	vmul.f32 $1.131370830e+01, v17;
	v0 =	vadd.f32 v0, v4;
	v4 =	vshll.u32 v6, $0x10;
	[tilespmem:s21+$0x14C00] =	vst v2  }
0xe6: {  	v5 =	vand.u32 $0xFFFF0000, v5;
	v4 =	vadd.f32 v4, v7;
	v2 =	vmul.f32 $1.131370830e+01, v20;
	[tilespmem:s21+$0x14C10] =	vst v1  }
0xe7: {  	s1 =	smul.u32 $0xC8, s1;
	v3 =	vadd.f32 v5, v3;
	v1 =	vmul.f32 $1.131370830e+01, v54;
	v5 =	vand.u32 $0xFFFF0000, v6;
	[tilespmem:s21+$0x14C20] =	vst v0  }
0xe8: {  	v0 =	vshll.u32 v13, $0x10;
	[tilespmem:s21+$0x14C40] =	vst v4;
	v2 =	vadd.f32 v5, v2  }
0xe9: {  	s1 =	sadd.s32 s5, s1;
	[tilespmem:s21+$0x14C30] =	vst v3;
	v0 =	vadd.f32 v0, v1  }
0xea: {  	s1 =	sshll.u32 s1, $0x4;
	[tilespmem:s21+$0x14C50] =	vst v2  }
0xeb: {  	s6 =	simm.s32 $0x0;
	s1 =	sadd.s32 s3, s1;
	[tilespmem:s21+$0x14C60] =	vst v0  }
0xec: {  	[hbm4b:s1+s6] =	stream.linear.scatter [tilespmem:s25], [sflag:$0x6], $0x6400, $0x38;
	[tilespmem:$0x1B000] =	vst v63  }
0xed: {  	_ =	swait.ge [sflag:s18], $0x3200  }
0xee: {  	[sflag:s18] =	ssyncset.done $0x0  }
0xef: {  	[sflag:s18] =	ssyncadd.s32 $0xFFFFCE00  }
0xf0: {  	_ =	swait.ge [sflag:s18], $0x3200  }
0xf1: {  	[sflag:s18] =	ssyncset.done $0x0  }
0xf2: {  	s19 =	smul.u32 $0xC00, s0;
	[sflag:s18] =	ssyncadd.s32 $0xFFFFCE00  }
0xf3: {  	_ =	swait.ge [sflag:s30], $0x6400  }
0xf4: {  	s1 =	sshra.s32 s19, $0x2;
	[sflag:s30] =	ssyncset.done $0x0  }
0xf5: {  	s21 =	sadd.s32 $0x400, s1;
	[sflag:s30] =	ssyncadd.s32 $0xFFFF9C00  }
0xf6: {  	[tilespmem:s20], [sflag:$0x2] =	stream.indirect.gather [hbm4b:s2+s14], $0x80, s21, s14, $0xb8;
	[tilespmem:$0x1B000] =	vst v63  }
0xf7: {  	s16 =	simm.s32 $0x0;
	s1 =	sadd.s32 $0x480, s1  }
0xf8: {  	[tilespmem:s22], [sflag:$0x2] =	stream.indirect.gather [hbm4b:s2+s14], $0x80, s1, s14, $0xb8;
	[tilespmem:$0x1B000] =	vst v63  }
0xf9: {  	v0 =	vld [tilespmem:s16+$0x8470]  }
0xfa: {  	v3 =	vld [tilespmem:s16+$0x2030]  }
0xfb: {  	v1 =	vld [tilespmem:s16+$0x8400]  }
0xfc: {  	v2 =	vld [tilespmem:s16+$0x8410]  }
0xfd: {  	v4 =	vld [tilespmem:s16+$0x8420]  }
0xfe: {  	v5 =	vld [tilespmem:s16+$0x8430]  }
0xff: {  	v6 =	vld [tilespmem:s16+$0x8440]  }
0x100: {  	v8 =	vld [tilespmem:s16+$0x8450]  }
0x101: {  	v9 =	vld [tilespmem:s16+$0x2000];
	v0 =	vmul.f32 $1.131370830e+01, v0  }
0x102: {  	s1 =	simm.s32 $0x80;
	v10 =	vld [tilespmem:s16+$0x2020];
	v7 =	vand.u32 $0xFFFF0000, v3  }
0x103: {  	v11 =	vld [tilespmem:s1+$0x8470];
	v0 =	vadd.f32 v7, v0  }
0x104: {  	v55 =	vld [tilespmem:s1+$0x2030]  }
0x105: {  	[tilespmem:s16+$0x8470] =	vst v0;
	v0 =	vld [tilespmem:s16+$0x2010]  }
0x106: {  	v56 =	vld [tilespmem:s1+$0x8400];
	v1 =	vmul.f32 $1.131370830e+01, v1;
	v2 =	vmul.f32 $1.131370830e+01, v2  }
0x107: {  	v58 =	vld [tilespmem:s1+$0x8410];
	v57 =	vshll.u32 v9, $0x10;
	v4 =	vmul.f32 $1.131370830e+01, v4;
	v9 =	vand.u32 $0xFFFF0000, v9  }
0x108: {  	v5 =	vmul.f32 $1.131370830e+01, v5;
	v6 =	vmul.f32 $1.131370830e+01, v6;
	v7 =	vld [tilespmem:s16+$0x8460];
	v1 =	vadd.f32 v57, v1  }
0x109: {  	v11 =	vmul.f32 $1.131370830e+01, v11;
	v62 =	vshll.u32 v10, $0x10;
	v2 =	vadd.f32 v9, v2;
	v9 =	vld [tilespmem:s1+$0x8430]  }
0x10a: {  	v59 =	vld [tilespmem:s1+$0x8420];
	v6 =	vadd.f32 v62, v6;
	[tilespmem:s16+$0x8400] =	vst v1;
	v60 =	vshll.u32 v0, $0x10;
	v0 =	vand.u32 $0xFFFF0000, v0  }
0x10b: {  	v61 =	vld [tilespmem:s1+$0x8440];
	[tilespmem:s16+$0x8410] =	vst v2;
	v4 =	vadd.f32 v60, v4;
	v0 =	vadd.f32 v0, v5;
	v5 =	vand.u32 $0xFFFF0000, v55  }
0x10c: {  	v8 =	vmul.f32 $1.131370830e+01, v8;
	v1 =	vld [tilespmem:s1+$0x8450];
	[tilespmem:s16+$0x8440] =	vst v6;
	v5 =	vadd.f32 v5, v11  }
0x10d: {  	v2 =	vld [tilespmem:s1+$0x8460];
	v11 =	vmul.f32 $1.131370830e+01, v7;
	[tilespmem:s16+$0x8420] =	vst v4;
	v4 =	vshll.u32 v3, $0x10;
	v3 =	vand.u32 $0xFFFF0000, v10  }
0x10e: {  	v6 =	vmul.f32 $1.131370830e+01, v9;
	[tilespmem:s16+$0x8430] =	vst v0;
	v10 =	vld [tilespmem:s1+$0x2000];
	v63 =	vadd.f32 v3, v8  }
0x10f: {  	v7 =	vmul.f32 $1.131370830e+01, v56;
	[tilespmem:s1+$0x8470] =	vst v5;
	v5 =	vmul.f32 $1.131370830e+01, v58;
	v8 =	vld [tilespmem:s1+$0x2010];
	v11 =	vadd.f32 v4, v11  }
0x110: {  	s19 =	simm.s32 $0x100;
	s6 =	simm.s32 $0x600;
	v9 =	vld [tilespmem:s1+$0x2020];
	v0 =	vshll.u32 v55, $0x10;
	v3 =	vmul.f32 $1.131370830e+01, v59;
	v4 =	vmul.f32 $1.131370830e+01, v61;
	[tilespmem:s16+$0x8450] =	vst v63  }
.LBB2_9:
0x111: {  	p0 =	sne.s32 s6, $0x18E00;
	v12 =	vld [tilespmem:s19+$0x8470];
	v13 =	vmul.f32 $1.131370830e+01, v1;
	[tilespmem:s16+$0x8460] =	vst v11;
	s16 =	smov.u32 s1;
	s1 =	smov.u32 s19  }
0x112: {  	v1 =	vld [tilespmem:s1+$0x2030];
	v11 =	vmul.f32 $1.131370830e+01, v2  }
0x113: {  	v2 =	vld [tilespmem:s1+$0x8400];
	v14 =	vshll.u32 v10, $0x10;
	v10 =	vand.u32 $0xFFFF0000, v10  }
0x114: {  	v15 =	vld [tilespmem:s1+$0x8410];
	v7 =	vadd.f32 v14, v7;
	v14 =	vshll.u32 v8, $0x10;
	v8 =	vand.u32 $0xFFFF0000, v8  }
0x115: {  	v5 =	vadd.f32 v10, v5;
	v16 =	vld [tilespmem:s1+$0x8420];
	v10 =	vshll.u32 v9, $0x10;
	v9 =	vand.u32 $0xFFFF0000, v9  }
0x116: {  	v3 =	vadd.f32 v14, v3;
	v6 =	vadd.f32 v8, v6;
	v17 =	vld [tilespmem:s1+$0x8430];
	v12 =	vmul.f32 $1.131370830e+01, v12;
	[tilespmem:s16+$0x8400] =	vst v7  }
0x117: {  	v4 =	vadd.f32 v10, v4;
	v14 =	vld [tilespmem:s1+$0x8440];
	v8 =	vshll.u32 v1, $0x10;
	v18 =	vand.u32 $0xFFFF0000, v1;
	[tilespmem:s16+$0x8410] =	vst v5  }
.Ltmp3:
0x118: {  	v13 =	vadd.f32 v9, v13;
	v7 =	vmul.f32 $1.131370830e+01, v2;
	v1 =	vld [tilespmem:s1+$0x8450];
	v12 =	vadd.f32 v18, v12;
	[tilespmem:s16+$0x8420] =	vst v3;
	(pc) =	sbr.rel @p0 .LBB2_9-.Ltmp3, $4  }
0x119: {  	v11 =	vadd.f32 v0, v11;
	v0 =	vmov v8;
	v5 =	vmul.f32 $1.131370830e+01, v15;
	v2 =	vld [tilespmem:s1+$0x8460];
	[tilespmem:s16+$0x8430] =	vst v6  }
0x11a: {  	v10 =	vld [tilespmem:s1+$0x2000];
	v3 =	vmul.f32 $1.131370830e+01, v16;
	[tilespmem:s1+$0x8470] =	vst v12  }
0x11b: {  	v8 =	vld [tilespmem:s1+$0x2010];
	v6 =	vmul.f32 $1.131370830e+01, v17;
	[tilespmem:s16+$0x8440] =	vst v4  }
0x11c: {  	s19 =	sshra.s32 s6, $0x2;
	s6 =	sadd.s32 $0x200, s6;
	v9 =	vld [tilespmem:s1+$0x2020];
	v4 =	vmul.f32 $1.131370830e+01, v14;
	[tilespmem:s16+$0x8450] =	vst v13  }
0x11d: {  	v12 =	vld [tilespmem:s19+$0x8470]  }
0x11e: {  	v13 =	vld [tilespmem:s19+$0x2030]  }
0x11f: {  	v14 =	vld [tilespmem:s19+$0x8400]  }
0x120: {  	v15 =	vld [tilespmem:s19+$0x8410];
	v18 =	vshll.u32 v10, $0x10  }
0x121: {  	v16 =	vld [tilespmem:s19+$0x8420];
	v2 =	vmul.f32 $1.131370830e+01, v2;
	v41 =	vand.u32 $0xFFFF0000, v10;
	v7 =	vadd.f32 v18, v7  }
0x122: {  	v17 =	vld [tilespmem:s19+$0x8430];
	[tilespmem:s16+$0x8460] =	vst v11;
	v5 =	vadd.f32 v41, v5  }
0x123: {  	v45 =	vld [tilespmem:s19+$0x2000];
	v44 =	vshll.u32 v8, $0x10;
	v0 =	vadd.f32 v0, v2;
	[tilespmem:s1+$0x8400] =	vst v7  }
0x124: {  	v19 =	vld [tilespmem:s19+$0x8440];
	v46 =	vand.u32 $0xFFFF0000, v8;
	v3 =	vadd.f32 v44, v3;
	[tilespmem:s1+$0x8410] =	vst v5  }
0x125: {  	v1 =	vmul.f32 $1.131370830e+01, v1;
	v48 =	vld [tilespmem:s19+$0x2010];
	v6 =	vadd.f32 v46, v6;
	v47 =	vshll.u32 v9, $0x10;
	[tilespmem:s1+$0x8460] =	vst v0  }
0x126: {  	v20 =	vld [tilespmem:s19+$0x8450];
	v49 =	vand.u32 $0xFFFF0000, v9;
	v12 =	vmul.f32 $1.131370830e+01, v12;
	v4 =	vadd.f32 v47, v4;
	[tilespmem:s1+$0x8420] =	vst v3  }
0x127: {  	v51 =	vld [tilespmem:s19+$0x2020];
	v40 =	vand.u32 $0xFFFF0000, v13;
	v50 =	vmul.f32 $1.131370830e+01, v14;
	v1 =	vadd.f32 v49, v1;
	[tilespmem:s1+$0x8430] =	vst v6  }
0x128: {  	v43 =	vld [tilespmem:s19+$0x8460];
	v52 =	vmul.f32 $1.131370830e+01, v15;
	v53 =	vshll.u32 v45, $0x10;
	v42 =	vadd.f32 v40, v12;
	[tilespmem:s1+$0x8440] =	vst v4  }
0x129: {  	v54 =	vmul.f32 $1.131370830e+01, v16;
	v55 =	vand.u32 $0xFFFF0000, v45;
	[tilespmem:s1+$0x8450] =	vst v1;
	v2 =	vadd.f32 v53, v50  }
0x12a: {  	v56 =	vmul.f32 $1.131370830e+01, v17;
	v57 =	vshll.u32 v48, $0x10;
	v1 =	vadd.f32 v55, v52;
	[tilespmem:s19+$0x8470] =	vst v42  }
0x12b: {  	v58 =	vmul.f32 $1.131370830e+01, v19;
	v5 =	vand.u32 $0xFFFF0000, v48;
	v0 =	vadd.f32 v57, v54;
	[tilespmem:s19+$0x8400] =	vst v2  }
0x12c: {  	v59 =	vmul.f32 $1.131370830e+01, v20;
	v60 =	vshll.u32 v51, $0x10;
	v3 =	vadd.f32 v5, v56;
	[tilespmem:s19+$0x8410] =	vst v1  }
0x12d: {  	s21 =	smul.u32 $0xC8, s12;
	v61 =	vmul.f32 $1.131370830e+01, v43;
	v62 =	vand.u32 $0xFFFF0000, v51;
	v4 =	vadd.f32 v60, v58;
	[tilespmem:s19+$0x8420] =	vst v0  }
0x12e: {  	v63 =	vshll.u32 v13, $0x10;
	v2 =	vadd.f32 v62, v59;
	[tilespmem:s19+$0x8430] =	vst v3  }
0x12f: {  	s1 =	sadd.s32 s5, s21;
	v0 =	vadd.f32 v63, v61;
	[tilespmem:s19+$0x8440] =	vst v4  }
0x130: {  	s1 =	sshll.u32 s1, $0x4;
	[tilespmem:s19+$0x8450] =	vst v2  }
0x131: {  	s0 =	sadd.s32 $0x1, s0;
	s1 =	sadd.s32 s3, s1;
	[tilespmem:s19+$0x8460] =	vst v0  }
0x132: {  	[hbm4b:s1+s4] =	stream.linear.scatter [tilespmem:s15], [sflag:$0x4], $0x6400, $0x38;
	[tilespmem:$0x1B000] =	vst v63  }
0x133: {  	p0 =	sne.s32 s0, $0xA;
	_ =	swait.ge [sflag:s23], $0x3200  }
.Ltmp4:
0x134: {  	[sflag:s23] =	ssyncset.done $0x0;
	(pc) =	sbr.rel @p0 .LBB2_4-.Ltmp4, $4  }
0x135: {  	[sflag:s23] =	ssyncadd.s32 $0xFFFFCE00  }
0x136: {  	_ =	swait.ge [sflag:s23], $0x3200  }
0x137: {  	[sflag:s23] =	ssyncset.done $0x0  }
0x138: {  	[sflag:s23] =	ssyncadd.s32 $0xFFFFCE00  }
0x139: {  	_ =	swait.ge [sflag:s24], $0x6400  }
0x13a: {  	[sflag:s24] =	ssyncset.done $0x0  }
0x13b: {  	s1 =	simm.s32 $0x0;
	[sflag:s24] =	ssyncadd.s32 $0xFFFF9C00  }
0x13c: {  	v0 =	vld [tilespmem:s1+$0xE870]  }
0x13d: {  	v3 =	vld [tilespmem:s1+$0x2030]  }
0x13e: {  	v1 =	vld [tilespmem:s1+$0xE800]  }
0x13f: {  	v2 =	vld [tilespmem:s1+$0xE810]  }
0x140: {  	v4 =	vld [tilespmem:s1+$0xE820]  }
0x141: {  	v5 =	vld [tilespmem:s1+$0xE830]  }
0x142: {  	v6 =	vld [tilespmem:s1+$0xE840]  }
0x143: {  	v8 =	vld [tilespmem:s1+$0xE850]  }
0x144: {  	v9 =	vld [tilespmem:s1+$0x2000];
	v0 =	vmul.f32 $1.131370830e+01, v0  }
0x145: {  	s0 =	simm.s32 $0x80;
	v10 =	vld [tilespmem:s1+$0x2020];
	v7 =	vand.u32 $0xFFFF0000, v3  }
0x146: {  	v11 =	vld [tilespmem:s0+$0xE870];
	v0 =	vadd.f32 v7, v0  }
0x147: {  	v12 =	vld [tilespmem:s0+$0x2030]  }
0x148: {  	[tilespmem:s1+$0xE870] =	vst v0;
	v0 =	vld [tilespmem:s1+$0x2010]  }
0x149: {  	v13 =	vld [tilespmem:s0+$0xE800];
	v1 =	vmul.f32 $1.131370830e+01, v1;
	v2 =	vmul.f32 $1.131370830e+01, v2  }
0x14a: {  	v15 =	vld [tilespmem:s0+$0xE810];
	v14 =	vshll.u32 v9, $0x10;
	v4 =	vmul.f32 $1.131370830e+01, v4;
	v9 =	vand.u32 $0xFFFF0000, v9  }
0x14b: {  	v5 =	vmul.f32 $1.131370830e+01, v5;
	v6 =	vmul.f32 $1.131370830e+01, v6;
	v7 =	vld [tilespmem:s1+$0xE860];
	v1 =	vadd.f32 v14, v1  }
0x14c: {  	v11 =	vmul.f32 $1.131370830e+01, v11;
	v17 =	vshll.u32 v10, $0x10;
	v2 =	vadd.f32 v9, v2;
	v9 =	vld [tilespmem:s0+$0xE830]  }
0x14d: {  	v61 =	vld [tilespmem:s0+$0xE820];
	v6 =	vadd.f32 v17, v6;
	[tilespmem:s1+$0xE800] =	vst v1;
	v16 =	vshll.u32 v0, $0x10;
	v0 =	vand.u32 $0xFFFF0000, v0  }
0x14e: {  	v62 =	vld [tilespmem:s0+$0xE840];
	[tilespmem:s1+$0xE810] =	vst v2;
	v4 =	vadd.f32 v16, v4;
	v0 =	vadd.f32 v0, v5;
	v5 =	vand.u32 $0xFFFF0000, v12  }
0x14f: {  	v8 =	vmul.f32 $1.131370830e+01, v8;
	v1 =	vld [tilespmem:s0+$0xE850];
	[tilespmem:s1+$0xE840] =	vst v6;
	v5 =	vadd.f32 v5, v11  }
0x150: {  	v2 =	vld [tilespmem:s0+$0xE860];
	v11 =	vmul.f32 $1.131370830e+01, v7;
	[tilespmem:s1+$0xE820] =	vst v4;
	v4 =	vshll.u32 v3, $0x10;
	v3 =	vand.u32 $0xFFFF0000, v10  }
0x151: {  	v6 =	vmul.f32 $1.131370830e+01, v9;
	[tilespmem:s1+$0xE830] =	vst v0;
	v10 =	vld [tilespmem:s0+$0x2000];
	v63 =	vadd.f32 v3, v8  }
0x152: {  	v7 =	vmul.f32 $1.131370830e+01, v13;
	[tilespmem:s0+$0xE870] =	vst v5;
	v5 =	vmul.f32 $1.131370830e+01, v15;
	v8 =	vld [tilespmem:s0+$0x2010];
	v11 =	vadd.f32 v4, v11  }
0x153: {  	s12 =	simm.s32 $0x100;
	s6 =	simm.s32 $0x600;
	v9 =	vld [tilespmem:s0+$0x2020];
	v0 =	vshll.u32 v12, $0x10;
	v3 =	vmul.f32 $1.131370830e+01, v61;
	v4 =	vmul.f32 $1.131370830e+01, v62;
	[tilespmem:s1+$0xE850] =	vst v63  }
.LBB2_12:
0x154: {  	p0 =	sne.s32 s6, $0x18E00;
	v12 =	vld [tilespmem:s12+$0xE870];
	v13 =	vmul.f32 $1.131370830e+01, v1;
	[tilespmem:s1+$0xE860] =	vst v11;
	s1 =	smov.u32 s0;
	s0 =	smov.u32 s12  }
0x155: {  	v1 =	vld [tilespmem:s0+$0x2030];
	v11 =	vmul.f32 $1.131370830e+01, v2  }
0x156: {  	v2 =	vld [tilespmem:s0+$0xE800];
	v14 =	vshll.u32 v10, $0x10;
	v10 =	vand.u32 $0xFFFF0000, v10  }
0x157: {  	v15 =	vld [tilespmem:s0+$0xE810];
	v7 =	vadd.f32 v14, v7;
	v14 =	vshll.u32 v8, $0x10;
	v8 =	vand.u32 $0xFFFF0000, v8  }
0x158: {  	v5 =	vadd.f32 v10, v5;
	v16 =	vld [tilespmem:s0+$0xE820];
	v10 =	vshll.u32 v9, $0x10;
	v9 =	vand.u32 $0xFFFF0000, v9  }
0x159: {  	v3 =	vadd.f32 v14, v3;
	v6 =	vadd.f32 v8, v6;
	v17 =	vld [tilespmem:s0+$0xE830];
	v12 =	vmul.f32 $1.131370830e+01, v12;
	[tilespmem:s1+$0xE800] =	vst v7  }
0x15a: {  	v4 =	vadd.f32 v10, v4;
	v14 =	vld [tilespmem:s0+$0xE840];
	v8 =	vshll.u32 v1, $0x10;
	v18 =	vand.u32 $0xFFFF0000, v1;
	[tilespmem:s1+$0xE810] =	vst v5  }
.Ltmp5:
0x15b: {  	v13 =	vadd.f32 v9, v13;
	v7 =	vmul.f32 $1.131370830e+01, v2;
	v1 =	vld [tilespmem:s0+$0xE850];
	v12 =	vadd.f32 v18, v12;
	[tilespmem:s1+$0xE820] =	vst v3;
	(pc) =	sbr.rel @p0 .LBB2_12-.Ltmp5, $4  }
0x15c: {  	v11 =	vadd.f32 v0, v11;
	v0 =	vmov v8;
	v5 =	vmul.f32 $1.131370830e+01, v15;
	v2 =	vld [tilespmem:s0+$0xE860];
	[tilespmem:s1+$0xE830] =	vst v6  }
0x15d: {  	v10 =	vld [tilespmem:s0+$0x2000];
	v3 =	vmul.f32 $1.131370830e+01, v16;
	[tilespmem:s0+$0xE870] =	vst v12  }
0x15e: {  	v8 =	vld [tilespmem:s0+$0x2010];
	v6 =	vmul.f32 $1.131370830e+01, v17;
	[tilespmem:s1+$0xE840] =	vst v4  }
0x15f: {  	s12 =	sshra.s32 s6, $0x2;
	s6 =	sadd.s32 $0x200, s6;
	v9 =	vld [tilespmem:s0+$0x2020];
	v4 =	vmul.f32 $1.131370830e+01, v14;
	[tilespmem:s1+$0xE850] =	vst v13  }
0x160: {  	v12 =	vld [tilespmem:s12+$0xE870]  }
0x161: {  	v13 =	vld [tilespmem:s12+$0x2030]  }
0x162: {  	v14 =	vld [tilespmem:s12+$0xE800]  }
0x163: {  	v15 =	vld [tilespmem:s12+$0xE810];
	v18 =	vshll.u32 v10, $0x10  }
0x164: {  	v16 =	vld [tilespmem:s12+$0xE820];
	v2 =	vmul.f32 $1.131370830e+01, v2;
	v41 =	vand.u32 $0xFFFF0000, v10;
	v7 =	vadd.f32 v18, v7  }
0x165: {  	v17 =	vld [tilespmem:s12+$0xE830];
	[tilespmem:s1+$0xE860] =	vst v11;
	v5 =	vadd.f32 v41, v5  }
0x166: {  	v45 =	vld [tilespmem:s12+$0x2000];
	v44 =	vshll.u32 v8, $0x10;
	v0 =	vadd.f32 v0, v2;
	[tilespmem:s0+$0xE800] =	vst v7  }
0x167: {  	v19 =	vld [tilespmem:s12+$0xE840];
	v46 =	vand.u32 $0xFFFF0000, v8;
	v3 =	vadd.f32 v44, v3;
	[tilespmem:s0+$0xE810] =	vst v5  }
0x168: {  	v1 =	vmul.f32 $1.131370830e+01, v1;
	v48 =	vld [tilespmem:s12+$0x2010];
	v6 =	vadd.f32 v46, v6;
	v47 =	vshll.u32 v9, $0x10;
	[tilespmem:s0+$0xE860] =	vst v0  }
0x169: {  	v20 =	vld [tilespmem:s12+$0xE850];
	v49 =	vand.u32 $0xFFFF0000, v9;
	v12 =	vmul.f32 $1.131370830e+01, v12;
	v4 =	vadd.f32 v47, v4;
	[tilespmem:s0+$0xE820] =	vst v3  }
0x16a: {  	v51 =	vld [tilespmem:s12+$0x2020];
	v40 =	vand.u32 $0xFFFF0000, v13;
	v50 =	vmul.f32 $1.131370830e+01, v14;
	v1 =	vadd.f32 v49, v1;
	[tilespmem:s0+$0xE830] =	vst v6  }
0x16b: {  	v43 =	vld [tilespmem:s12+$0xE860];
	v52 =	vmul.f32 $1.131370830e+01, v15;
	v53 =	vshll.u32 v45, $0x10;
	v42 =	vadd.f32 v40, v12;
	[tilespmem:s0+$0xE840] =	vst v4  }
0x16c: {  	v54 =	vmul.f32 $1.131370830e+01, v16;
	v55 =	vand.u32 $0xFFFF0000, v45;
	[tilespmem:s0+$0xE850] =	vst v1;
	v2 =	vadd.f32 v53, v50  }
0x16d: {  	v56 =	vmul.f32 $1.131370830e+01, v17;
	v57 =	vshll.u32 v48, $0x10;
	v1 =	vadd.f32 v55, v52;
	[tilespmem:s12+$0xE870] =	vst v42  }
0x16e: {  	v58 =	vmul.f32 $1.131370830e+01, v19;
	v5 =	vand.u32 $0xFFFF0000, v48;
	v0 =	vadd.f32 v57, v54;
	[tilespmem:s12+$0xE800] =	vst v2  }
0x16f: {  	v59 =	vmul.f32 $1.131370830e+01, v20;
	v60 =	vshll.u32 v51, $0x10;
	v3 =	vadd.f32 v5, v56;
	[tilespmem:s12+$0xE810] =	vst v1  }
0x170: {  	v61 =	vmul.f32 $1.131370830e+01, v43;
	v62 =	vand.u32 $0xFFFF0000, v51;
	v4 =	vadd.f32 v60, v58;
	[tilespmem:s12+$0xE820] =	vst v0  }
0x171: {  	v63 =	vshll.u32 v13, $0x10;
	v2 =	vadd.f32 v62, v59;
	[tilespmem:s12+$0xE830] =	vst v3  }
0x172: {  	s31 =	sadd.s32 $0x1, s31;
	v0 =	vadd.f32 v63, v61;
	[tilespmem:s12+$0xE840] =	vst v4  }
0x173: {  	p0 =	sne.s32 s31, s11;
	[tilespmem:s12+$0xE850] =	vst v2  }
.Ltmp6:
0x174: {  	[tilespmem:s12+$0xE860] =	vst v0;
	(pc) =	sbr.rel @p0 .LBB2_1-.Ltmp6, $4  }
0x175: {  	[hbm4b:s10+s4] =	stream.linear.scatter [tilespmem:s20], [sflag:$0x5], $0x6400, $0x38;
	[tilespmem:$0x1B000] =	vst v63  }
0x176: {  	_ =	swait.ge [sflag:s29], $0x6400  }
0x177: {  	[sflag:s29] =	ssyncset.done $0x0  }
0x178: {  	[sflag:s29] =	ssyncadd.s32 $0xFFFF9C00  }
0x179: {  	_ =	sfence.sel $0x180000  }
0x17a: {  	[bflag:$0x0] =	sbarrier.arrive $0xFFFF  }
0x17b: {  	_ =	strace $0x90000047  }
0x17c: {  	s0 =	stileid.u32;
	[bflag:$0x2] =	sbarrier.arrive $0xFFFF  }
0x17d: {  	p0 =	sne.s32 s0, $0x0;
	s0 =	rddreg [dreg:$0x3]  }
0x17e: {  	s0 =	sadd.s32 @!p0 $0x100000, s0  }
0x17f: {  	[sflag:s0] =	ssyncadd.tile.s32 @!p0 $0x1;
	_ =	shalt  }
.Lfunc_end2:
_tile_overlayer_lowered:
.L_overlay_start_2:
0x180: {  	(tag) =	ssettag $0x2  }
0x181: {  	s0 =	rddreg [dreg:$0x0];
	s2 =	stileid.u32  }
0x182: {  	s1 =	rddreg [dreg:$0x1];
	p0 =	sne.s32 s2, $0x0  }
0x183: {  	s3 =	rddreg [dreg:$0x2];
	[bflag:$0x3] =	sbarrier.arrive $0xFFFF;
	s2 =	simm.s32 @!p0 $0x1C07  }
0x184: {  	[timem:s3], [sflag:s2] =	dma.local @!p0 [hbm:s0], s1  }
0x185: {  	s0 =	simm.s32 @!p0 $0x7  }
0x186: {  	_ =	swait.ge @!p0 [sflag:s0], s1  }
0x187: {  	s1 =	ssub.s32 @!p0 $0x0, s1;
	[sflag:s0] =	ssyncset.done @!p0 $0x0  }
0x188: {  	[sflag:s0] =	ssyncadd.s32 @!p0 s1  }
0x189: {  	[bflag:$0x3] =	sbarrier.arrive $0xFFFF  }
0x18a: {  	_ =	shalt  }

</sc_bundles>
